<compile_context>
chip_gen: v7x
topology: tpu7x:2x2x1
jax: 0.10.2.dev20260603
libtpu: 0.0.44.dev20260713+nightly
codegen_flags: <defaults>
</compile_context>

<pallas_src>
import functools

import jax
import jax.numpy as jnp
from jax.experimental import pallas as pl
from jax.experimental.pallas import tpu as pltpu
from jax.experimental.pallas import tpu_sc as plsc

_NC, _NS = 2, 16
_NW = _NC * _NS


def _pick_block(n, target, mult=8):
    b = min(target, n)
    while b > 1:
        if n % b == 0 and (b % mult == 0 or b == n):
            return b
        b -= 1
    return n




def _sc_gather(table, idx):
    v, d = table.shape
    e = idx.shape[0]
    per_w = e // _NW
    c = min(2000, per_w)
    while per_w % c or c % 8:
        c -= 1
    n_it = per_w // c
    mesh = plsc.VectorSubcoreMesh(core_axis_name="c", subcore_axis_name="s")

    @functools.partial(
        pl.kernel, mesh=mesh,
        out_type=jax.ShapeDtypeStruct((e, d), jnp.float32),
        compiler_params=pltpu.CompilerParams(use_tc_tiling_on_sc=False),
        scratch_types=[pltpu.VMEM((c,), jnp.int32),
                       pltpu.VMEM((c, d), jnp.float32),
                       pltpu.SemaphoreType.DMA],
    )
    def gk(table_hbm, idx_hbm, out_hbm, idx_v, rows_v, sem):
        wid = jax.lax.axis_index("s") * _NC + jax.lax.axis_index("c")
        base = wid * per_w

        def body(i, carry):
            sl = pl.ds(base + i * c, c)
            pltpu.sync_copy(idx_hbm.at[sl], idx_v)
            pltpu.async_copy(table_hbm.at[idx_v], rows_v, sem).wait()
            pltpu.sync_copy(rows_v, out_hbm.at[sl])
            return carry

        jax.lax.fori_loop(0, n_it, body, 0)

    return gk(table, idx)




def _sc_scatter(data, idx2, n):
    e, d = data.shape
    n_half = n // 2
    m_spmem = n_half + _NS
    per_tile = e // _NS
    c = 0
    for cand in (4000, 2000, 1000, 800, 400, 200, 80, 40, 8):
        if (per_tile % cand == 0 and (per_tile // cand) % 2 == 0
                and m_spmem * d + 32 * cand * (d + 1) <= 2_090_000):
            c = cand
            break
    n_it = per_tile // c
    zrows = m_spmem // _NS
    orows = n_half // _NS
    mesh = plsc.VectorSubcoreMesh(core_axis_name="c", subcore_axis_name="s")

    @functools.partial(
        pl.kernel, mesh=mesh,
        out_type=jax.ShapeDtypeStruct((n, d), jnp.float32),
        compiler_params=pltpu.CompilerParams(use_tc_tiling_on_sc=False),
        scratch_types=[pltpu.VMEM((2, c, d), jnp.float32),
                       pltpu.VMEM((2, c), jnp.int32),
                       pltpu.VMEM_SHARED((m_spmem, d), jnp.float32),
                       pltpu.SemaphoreType.DMA,
                       pltpu.SemaphoreType.DMA,
                       pltpu.SemaphoreType.DMA],
    )
    def sk(data_hbm, idx2_hbm, zeros_hbm, out_hbm, data_v, idx_v,
           acc_sh, sem_i, sem_d, sem_s):
        core = jax.lax.axis_index("c")
        tid = jax.lax.axis_index("s")
        pltpu.sync_copy(zeros_hbm, acc_sh.at[pl.ds(tid * zrows, zrows)])
        plsc.subcore_barrier()
        base = tid * per_tile

        def sl(i):
            return pl.ds(base + i * c, c)

        def start_load(i, b):
            pltpu.async_copy(idx2_hbm.at[core].at[sl(i)], idx_v.at[b], sem_i)
            pltpu.async_copy(data_hbm.at[sl(i)], data_v.at[b], sem_d)

        def wait_load(b):
            pltpu.make_async_copy(idx2_hbm.at[0].at[sl(0)], idx_v.at[b],
                                  sem_i).wait()
            pltpu.make_async_copy(data_hbm.at[sl(0)], data_v.at[b],
                                  sem_d).wait()

        def start_scat(b):
            pltpu.async_copy(data_v.at[b], acc_sh.at[idx_v.at[b]], sem_s,
                             add=True)

        def wait_scat(b):
            pltpu.make_async_copy(data_v.at[b], acc_sh.at[idx_v.at[b]],
                                  sem_s).wait()

        start_load(0, 0)

        def body(ii, carry):
            for b in range(2):
                i = ii * 2 + b

                @pl.when(i >= 1)
                def _():
                    wait_scat(1 - b)

                @pl.when(i + 1 < n_it)
                def _():
                    start_load(i + 1, 1 - b)

                wait_load(b)
                start_scat(b)
            return carry

        jax.lax.fori_loop(0, n_it // 2, body, 0)
        wait_scat((n_it - 1) % 2)
        plsc.subcore_barrier()
        pltpu.sync_copy(acc_sh.at[pl.ds(tid * orows, orows)],
                        out_hbm.at[pl.ds(core * n_half + tid * orows, orows)])

    zeros = jnp.zeros((zrows, d), jnp.float32)
    return sk(data, idx2, zeros)




def _edge_body(gi_ref, gj_ref, wi, wj, wd, b1t, w2b, b2t,
               wc1b, bc1t, wc2b, bc2t, e4, g_sel, ones_m, s_ref):
    bf = jnp.bfloat16
    gi = gi_ref[...]
    gj = gj_ref[...]
    diff = gi - gj
    sq = diff * diff
    pre = (jnp.dot(gi.astype(bf), wi[...], preferred_element_type=jnp.float32)
           + jnp.dot(gj.astype(bf), wj[...],
                     preferred_element_type=jnp.float32)
           + jnp.dot(sq.astype(bf), wd[...],
                     preferred_element_type=jnp.float32)
           + b1t[...])
    m1 = jax.nn.silu(pre)
    m = jax.nn.silu(jnp.dot(m1.astype(bf), w2b[...],
                            preferred_element_type=jnp.float32) + b2t[...])
    c1 = jax.nn.silu(jnp.dot(m.astype(bf), wc1b[...],
                             preferred_element_type=jnp.float32) + bc1t[...])
    cc = jnp.tanh(jnp.dot(c1, wc2b[...], preferred_element_type=jnp.float32)
                  + bc2t[...])
    cb = jnp.dot(cc, e4[...], preferred_element_type=jnp.float32)
    s_ref[...] = (m
                  + jnp.dot((diff * cb).astype(bf), g_sel[...],
                            preferred_element_type=jnp.float32)
                  + ones_m[...])


def _edge_stage(g_i, g_j, W_m1, b_m1, W_m2, b_m2, W_c1, b_c1, W_c2, b_c2):
    e = g_i.shape[0]
    e4 = e // 4
    be = _pick_block(e4, 4000)
    grid = (e4 // be,)

    def bd4(a):
        return jnp.kron(jnp.eye(4, dtype=jnp.float32), a)

    w1i_p = jnp.zeros((24, 32), jnp.float32).at[:16].set(W_m1[:16])
    w1j_p = jnp.zeros((24, 32), jnp.float32).at[:16].set(W_m1[16:32])
    wd_p = jnp.zeros((24, 32), jnp.float32).at[16:19].set(
        jnp.broadcast_to(W_m1[32:33], (3, 32)))
    wi = bd4(w1i_p).astype(jnp.bfloat16)
    wj = bd4(w1j_p).astype(jnp.bfloat16)
    wd = bd4(wd_p).astype(jnp.bfloat16)
    b1t = jnp.tile(b_m1, 4).reshape(1, 128)
    w2b = jnp.zeros((128, 160), jnp.float32)
    wc1b = jnp.zeros((160, 128), jnp.float32)
    b2t = jnp.zeros((1, 160), jnp.float32)
    for k in range(4):
        w2b = w2b.at[32 * k:32 * k + 32, 40 * k:40 * k + 32].set(W_m2)
        wc1b = wc1b.at[40 * k:40 * k + 32, 32 * k:32 * k + 32].set(W_c1)
        b2t = b2t.at[0, 40 * k:40 * k + 32].set(b_m2)
    w2b = w2b.astype(jnp.bfloat16)
    wc1b = wc1b.astype(jnp.bfloat16)
    bc1t = jnp.tile(b_c1, 4).reshape(1, 128)
    wc2b = bd4(W_c2)
    bc2t = jnp.tile(b_c2, 4).reshape(1, 4)
    e4m = bd4(jnp.ones((1, 24), jnp.float32))
    g_sel = jnp.zeros((96, 160), jnp.float32)
    for k in range(4):
        for r in range(3):
            g_sel = g_sel.at[24 * k + 16 + r, 40 * k + 32 + r].set(1.0)
    g_sel = g_sel.astype(jnp.bfloat16)
    ones_m = jnp.zeros((1, 160), jnp.float32)
    for k in range(4):
        ones_m = ones_m.at[0, 40 * k + 35].set(1.0)

    gi4 = g_i.reshape(e4, 96)
    gj4 = g_j.reshape(e4, 96)
    full = lambda a: pl.BlockSpec(a.shape, lambda i: (0,) * a.ndim)
    eb = lambda d: pl.BlockSpec((be, d), lambda i: (i, 0))
    s = pl.pallas_call(
        _edge_body,
        grid=grid,
        in_specs=[eb(96), eb(96),
                  full(wi), full(wj), full(wd), full(b1t), full(w2b),
                  full(b2t), full(wc1b), full(bc1t), full(wc2b), full(bc2t),
                  full(e4m), full(g_sel), full(ones_m)],
        out_specs=pl.BlockSpec((be, 160), lambda i: (i, 0)),
        out_shape=jax.ShapeDtypeStruct((e4, 160), jnp.float32),
    )(gi4, gj4, wi, wj, wd, b1t, w2b, b2t, wc1b, bc1t, wc2b, bc2t,
      e4m, g_sel, ones_m)
    return s.reshape(e, 40)




def _node_body(coords_ref, hid_ref, agg_ref, wn1h, wn1m, bn1, wn2,
               bn2, outc_ref, hp_ref, sum_ref, sq_ref):
    i = pl.program_id(0)
    h = hid_ref[...]
    agg = agg_ref[...]
    cnt = jnp.maximum(agg[:, 35:36], 1.0)
    outc_ref[...] = coords_ref[...] + agg[:, 32:35] / cnt
    nh = jax.nn.silu(
        jnp.dot(h, wn1h[...], preferred_element_type=jnp.float32)
        + jnp.dot(agg[:, :32], wn1m[...], preferred_element_type=jnp.float32)
        + bn1[...])
    hp = h + jnp.dot(nh, wn2[...], preferred_element_type=jnp.float32) + bn2[...]
    hp_ref[...] = hp
    s = jnp.sum(hp, axis=0, keepdims=True)
    sq = jnp.sum(hp * hp).reshape(1, 1)

    @pl.when(i == 0)
    def _():
        sum_ref[...] = s
        sq_ref[...] = sq

    @pl.when(i > 0)
    def _():
        sum_ref[...] += s
        sq_ref[...] += sq


def _node_stage(coords, hidden, agg, wn1h, wn1m, bn1, wn2, bn2):
    n = coords.shape[0]
    bn = _pick_block(n, 2000)
    grid = (n // bn,)
    full = lambda a: pl.BlockSpec(a.shape, lambda i: (0,) * a.ndim)
    nb = lambda d: pl.BlockSpec((bn, d), lambda i: (i, 0))
    acc = lambda d: pl.BlockSpec((1, d), lambda i: (0, 0))
    return pl.pallas_call(
        _node_body,
        grid=grid,
        in_specs=[nb(3), nb(16), nb(40),
                  full(wn1h), full(wn1m), full(bn1), full(wn2), full(bn2)],
        out_specs=[nb(3), nb(16), acc(16), acc(1)],
        out_shape=[jax.ShapeDtypeStruct((n, 3), jnp.float32),
                   jax.ShapeDtypeStruct((n, 16), jnp.float32),
                   jax.ShapeDtypeStruct((1, 16), jnp.float32),
                   jax.ShapeDtypeStruct((1, 1), jnp.float32)],
    )(coords, hidden, agg, wn1h, wn1m, bn1, wn2, bn2)




def _norm_body(hp_ref, mean_ref, inv_ref, out_ref):
    out_ref[...] = (hp_ref[...] - mean_ref[...]) * inv_ref[0, 0]


def _norm_stage(hp, mean, inv_norm):
    n = hp.shape[0]
    bn = _pick_block(n, 5000)
    return pl.pallas_call(
        _norm_body,
        grid=(n // bn,),
        in_specs=[pl.BlockSpec((bn, 16), lambda i: (i, 0)),
                  pl.BlockSpec((1, 16), lambda i: (0, 0)),
                  pl.BlockSpec((1, 1), lambda i: (0, 0))],
        out_specs=pl.BlockSpec((bn, 16), lambda i: (i, 0)),
        out_shape=jax.ShapeDtypeStruct((n, 16), jnp.float32),
    )(hp, mean, inv_norm)




def kernel(batch_coords, batch_hidden, edges, W_m1, b_m1, W_m2, b_m2,
           W_c1, b_c1, W_c2, b_c2, W_n1, b_n1, W_n2, b_n2):
    n = batch_coords.shape[0]
    row = edges[0]
    col = edges[1]

    table = jnp.concatenate(
        [batch_hidden, batch_coords,
         jnp.zeros((n, 5), jnp.float32)], axis=1)
    g_i = _sc_gather(table, row)
    g_j = _sc_gather(table, col)

    s_packed = _edge_stage(
        g_i, g_j, W_m1, b_m1, W_m2, b_m2, W_c1, b_c1, W_c2, b_c2)

    n_half = n // 2
    idx2 = jnp.stack([
        jnp.where(row < n_half, row, n_half),
        jnp.where(row >= n_half, row - n_half, n_half)])
    agg = _sc_scatter(s_packed, idx2, n)

    wn1h = W_n1[:16]
    wn1m = W_n1[16:]
    out_coords, hp, s, sq = _node_stage(
        batch_coords, batch_hidden, agg,
        wn1h, wn1m, b_n1.reshape(1, -1), W_n2, b_n2.reshape(1, -1))

    mean = s / n
    ssq_centered = sq[0, 0] - n * jnp.sum(mean * mean)
    inv_norm = jax.lax.rsqrt(1e-6 + ssq_centered / n).reshape(1, 1)
    out_hidden = _norm_stage(hp, mean, inv_norm)
    return (out_coords, out_hidden)

# --- scband reference (transcript-rebuilt; emitter-appended) ---
"""Pipeline reference for scband-fixed-target-egnca-46651934769170 (READ-ONLY COPY).

The authoritative reference and input builder live on the scoring server;
editing this copy changes nothing except your own understanding.
"""

import jax, jax.numpy as jnp
import numpy as np

N_NODES = 100000
N_EDGES = 3200000
HIDDEN = 16
MSG = 32
COORD = 3

def _glorot(key, shape):
    lim = float(np.sqrt(6.0 / (shape[0] + shape[1])))
    return jax.random.uniform(key, shape, jnp.float32, -lim, lim)

def setup_inputs(seed: int = 0) -> dict:
    key = jax.random.key(seed)
    ks = jax.random.split(key, 16)
    inp = {}
    inp['batch_coords'] = jax.random.normal(ks[0], (N_NODES, COORD), jnp.float32) * 0.5
    inp['batch_hidden'] = jax.random.normal(ks[1], (N_NODES, HIDDEN), jnp.float32)
    inp['edges'] = jax.random.randint(ks[2], (2, N_EDGES), 0, N_NODES, jnp.int32)
    # egc message MLP: in = h_i | h_j | dist^2 -> MSG -> MSG
    inp['W_m1'] = _glorot(ks[3], (2 * HIDDEN + 1, MSG)); inp['b_m1'] = jnp.zeros((MSG,), jnp.float32)
    inp['W_m2'] = _glorot(ks[4], (MSG, MSG)); inp['b_m2'] = jnp.zeros((MSG,), jnp.float32)
    # coord MLP: MSG -> MSG -> 1 (tanh output for stability, as in EGNCA)
    inp['W_c1'] = _glorot(ks[5], (MSG, MSG)); inp['b_c1'] = jnp.zeros((MSG,), jnp.float32)
    inp['W_c2'] = _glorot(ks[6], (MSG, 1)); inp['b_c2'] = jnp.zeros((1,), jnp.float32)
    # node MLP: h | agg_msg -> MSG -> HIDDEN (residual)
    inp['W_n1'] = _glorot(ks[7], (HIDDEN + MSG, MSG)); inp['b_n1'] = jnp.zeros((MSG,), jnp.float32)
    inp['W_n2'] = _glorot(ks[8], (MSG, HIDDEN)); inp['b_n2'] = jnp.zeros((HIDDEN,), jnp.float32)
    return inp

def reference(batch_coords, batch_hidden, edges, W_m1, b_m1, W_m2, b_m2, W_c1, b_c1, W_c2, b_c2, W_n1, b_n1, W_n2, b_n2):
    n = batch_coords.shape[0]
    row = edges[0]
    col = edges[1]
    # gather endpoint features (SparseCore gather)
    x_i = batch_coords[row]
    x_j = batch_coords[col]
    h_i = batch_hidden[row]
    h_j = batch_hidden[col]
    diff = x_i - x_j
    dist2 = jnp.sum(diff * diff, axis=-1, keepdims=True)
    # message MLP
    m = jnp.concatenate([h_i, h_j, dist2], axis=-1)
    m = jax.nn.silu(m @ W_m1 + b_m1)
    m = jax.nn.silu(m @ W_m2 + b_m2)
    # equivariant coordinate update
    c = jax.nn.silu(m @ W_c1 + b_c1)
    c = jnp.tanh(c @ W_c2 + b_c2)
    trans = diff * c
    agg_trans = jax.ops.segment_sum(trans, row, num_segments=n)
    counts = jax.ops.segment_sum(jnp.ones((row.shape[0], 1), jnp.float32), row, num_segments=n)
    agg_trans = agg_trans / jnp.clip(counts, 1.0, None)
    out_coords = batch_coords + agg_trans
    # hidden update
    agg_m = jax.ops.segment_sum(m, row, num_segments=n)
    nh = jnp.concatenate([batch_hidden, agg_m], axis=-1)
    nh = jax.nn.silu(nh @ W_n1 + b_n1)
    nh = nh @ W_n2 + b_n2
    out_hidden = batch_hidden + nh
    # PairNorm(scale=1.0)
    hc = out_hidden - jnp.mean(out_hidden, axis=0, keepdims=True)
    norm = jnp.sqrt(1e-6 + jnp.mean(jnp.sum(hc * hc, axis=-1)))
    out_hidden = hc / norm
    return (out_coords, out_hidden)

if __name__ == "__main__":
    import jax
    _d = setup_inputs()
    print(jax.jit(kernel)(*tuple(_d.values())))

</pallas_src>

<mosaic_0001>
#map = affine_map<(d0, d1) -> (0, 0)>
#map1 = affine_map<(d0, d1) -> (0)>
module attributes {stable_mosaic.version = 14 : i64} {
  func.func @gk(%arg0: i32, %arg1: i32, %arg2: memref<100000x24xf32, #tpu.memory_space<hbm>>, %arg3: memref<3200000xi32, #tpu.memory_space<hbm>>, %arg4: memref<3200000x24xf32, #tpu.memory_space<hbm>>, %arg5: memref<2000xi32, #tpu.memory_space<vmem>>, %arg6: memref<2000x24xf32, #tpu.memory_space<vmem>>, %arg7: memref<!tpu.dma_semaphore, #tpu.memory_space<semaphore_mem>>) attributes {dimension_semantics = [#tpu.dimension_semantics<core_parallel>, #tpu.dimension_semantics<subcore_parallel>], iteration_bounds = array<i64: 2, 16>, scalar_prefetch = 0 : i64, scratch_operands = 3 : i64, tpu.core_type = #tpu.core_type<sc_vector_subcore>, window_params = [{transform_indices = #map}, {transform_indices = #map1}, {transform_indices = #map}]} {
    %mul3A = arith.constant 2 : i32
    %mul3A_0 = arith.muli %arg1, %mul3A : i32
    %add3A = arith.addi %mul3A_0, %arg0 : i32
    %mul3A_1 = arith.constant 100000 : i32
    %mul3A_2 = arith.muli %add3A, %mul3A_1 : i32
    %scan3A = arith.constant 0 : i32
    %scan3A_3 = arith.constant 0 : i32
    %scan3A_4 = arith.constant 50 : i32
    %scan3A_5 = arith.addi %scan3A_3, %scan3A_4 : i32
    %scan3A_6 = arith.constant 1 : i32
    scf.for %scan3A_8 = %scan3A_3 to %scan3A_5 step %scan3A_6  : i32 {
      %mul3A_9 = arith.constant 2000 : i32
      %mul3A_10 = arith.muli %scan3A_8, %mul3A_9 : i32
      %add3A_11 = arith.addi %mul3A_2, %mul3A_10 : i32
      "tpu.region"() ({
        %run_scoped3A = tpu.sem_alloc : memref<!tpu.dma_semaphore, #tpu.memory_space<semaphore_mem>>
        %dma_start3A_16 = tpu.memref_slice %arg3[%add3A_11] : memref<3200000xi32, #tpu.memory_space<hbm>> -> memref<2000xi32, #tpu.memory_space<hbm>>
        %dma_start3A_17 = tpu.memref_slice %arg3[%add3A_11] : memref<3200000xi32, #tpu.memory_space<hbm>> -> memref<2000xi32, #tpu.memory_space<hbm>>
        tpu.enqueue_dma source(%dma_start3A_17 : memref<2000xi32, #tpu.memory_space<hbm>>) target(%arg5 : memref<2000xi32, #tpu.memory_space<vmem>>) target_semaphore(%run_scoped3A : memref<!tpu.dma_semaphore, #tpu.memory_space<semaphore_mem>>)
        %dma_wait3A_18 = tpu.memref_slice %arg3[%add3A_11] : memref<3200000xi32, #tpu.memory_space<hbm>> -> memref<2000xi32, #tpu.memory_space<hbm>>
        %dma_wait3A_19 = tpu.memref_slice %arg3[%add3A_11] : memref<3200000xi32, #tpu.memory_space<hbm>> -> memref<2000xi32, #tpu.memory_space<hbm>>
        tpu.wait_dma2 semaphore(%run_scoped3A : memref<!tpu.dma_semaphore, #tpu.memory_space<semaphore_mem>>) src(%dma_wait3A_19 : memref<2000xi32, #tpu.memory_space<hbm>>) dst(%arg5 : memref<2000xi32, #tpu.memory_space<vmem>>)
        tpu.yield
      }) : () -> ()
      %dma_start3A = arith.constant 0 : i32
      %dma_start3A_12 = arith.constant 0 : i32
      %dma_start3A_13 = tpu.memref_slice %arg2[%dma_start3A, %dma_start3A_12] : memref<100000x24xf32, #tpu.memory_space<hbm>> -> memref<100000x24xf32, #tpu.memory_space<hbm>>
      tpu.enqueue_indirect_dma source(%dma_start3A_13 : memref<100000x24xf32, #tpu.memory_space<hbm>>) target(%arg6 : memref<2000x24xf32, #tpu.memory_space<vmem>>) offsets(%arg5 : memref<2000xi32, #tpu.memory_space<vmem>>) semaphore(%arg7 : memref<!tpu.dma_semaphore, #tpu.memory_space<semaphore_mem>>)
      %dma_wait3A = arith.constant 0 : i32
      %dma_wait3A_14 = arith.constant 0 : i32
      %dma_wait3A_15 = tpu.memref_slice %arg2[%dma_wait3A, %dma_wait3A_14] : memref<100000x24xf32, #tpu.memory_space<hbm>> -> memref<100000x24xf32, #tpu.memory_space<hbm>>
      tpu.wait_indirect_dma semaphore(%arg7 : memref<!tpu.dma_semaphore, #tpu.memory_space<semaphore_mem>>) src(%dma_wait3A_15 : memref<100000x24xf32, #tpu.memory_space<hbm>>) dst(%arg6 : memref<2000x24xf32, #tpu.memory_space<vmem>>)
      "tpu.region"() ({
        %run_scoped3A = tpu.sem_alloc : memref<!tpu.dma_semaphore, #tpu.memory_space<semaphore_mem>>
        %dma_start3A_16 = arith.constant 0 : i32
        %dma_start3A_17 = tpu.memref_slice %arg4[%add3A_11, %dma_start3A_16] : memref<3200000x24xf32, #tpu.memory_space<hbm>> -> memref<2000x24xf32, #tpu.memory_space<hbm>>
        %dma_start3A_18 = arith.constant 0 : i32
        %dma_start3A_19 = tpu.memref_slice %arg4[%add3A_11, %dma_start3A_18] : memref<3200000x24xf32, #tpu.memory_space<hbm>> -> memref<2000x24xf32, #tpu.memory_space<hbm>>
        tpu.enqueue_dma source(%arg6 : memref<2000x24xf32, #tpu.memory_space<vmem>>) target(%dma_start3A_19 : memref<2000x24xf32, #tpu.memory_space<hbm>>) target_semaphore(%run_scoped3A : memref<!tpu.dma_semaphore, #tpu.memory_space<semaphore_mem>>)
        %dma_wait3A_20 = arith.constant 0 : i32
        %dma_wait3A_21 = tpu.memref_slice %arg4[%add3A_11, %dma_wait3A_20] : memref<3200000x24xf32, #tpu.memory_space<hbm>> -> memref<2000x24xf32, #tpu.memory_space<hbm>>
        %dma_wait3A_22 = arith.constant 0 : i32
        %dma_wait3A_23 = tpu.memref_slice %arg4[%add3A_11, %dma_wait3A_22] : memref<3200000x24xf32, #tpu.memory_space<hbm>> -> memref<2000x24xf32, #tpu.memory_space<hbm>>
        tpu.wait_dma2 semaphore(%run_scoped3A : memref<!tpu.dma_semaphore, #tpu.memory_space<semaphore_mem>>) src(%arg6 : memref<2000x24xf32, #tpu.memory_space<vmem>>) dst(%dma_wait3A_23 : memref<2000x24xf32, #tpu.memory_space<hbm>>)
        tpu.yield
      }) : () -> ()
    }
    %scan3A_7 = arith.constant 50 : i32
    return
  }
}

#map = affine_map<(d0, d1) -> (0, 0)>
module attributes {stable_mosaic.version = 14 : i64} {
  func.func @sk(%arg0: i32, %arg1: i32, %arg2: memref<3200000x40xf32, #tpu.memory_space<hbm>>, %arg3: memref<2x3200000xi32, #tpu.memory_space<hbm>>, %arg4: memref<3126x40xf32, #tpu.memory_space<hbm>>, %arg5: memref<100000x40xf32, #tpu.memory_space<hbm>>, %arg6: memref<2x40x40xf32, #tpu.memory_space<vmem>>, %arg7: memref<2x40xi32, #tpu.memory_space<vmem>>, %arg8: memref<50016x40xf32, #tpu.memory_space<vmem_shared>>, %arg9: memref<!tpu.dma_semaphore, #tpu.memory_space<semaphore_mem>>, %arg10: memref<!tpu.dma_semaphore, #tpu.memory_space<semaphore_mem>>, %arg11: memref<!tpu.dma_semaphore, #tpu.memory_space<semaphore_mem>>) attributes {dimension_semantics = [#tpu.dimension_semantics<core_parallel>, #tpu.dimension_semantics<subcore_parallel>], iteration_bounds = array<i64: 2, 16>, scalar_prefetch = 0 : i64, scratch_operands = 6 : i64, tpu.core_type = #tpu.core_type<sc_vector_subcore>, window_params = [{transform_indices = #map}, {transform_indices = #map}, {transform_indices = #map}, {transform_indices = #map}]} {
    %mul3A = arith.constant 3126 : i32
    %mul3A_0 = arith.muli %arg1, %mul3A : i32
    "tpu.region"() ({
      %run_scoped3A = tpu.sem_alloc : memref<!tpu.dma_semaphore, #tpu.memory_space<semaphore_mem>>
      %dma_start3A_57 = arith.constant 0 : i32
      %dma_start3A_58 = tpu.memref_slice %arg8[%mul3A_0, %dma_start3A_57] : memref<50016x40xf32, #tpu.memory_space<vmem_shared>> -> memref<3126x40xf32, #tpu.memory_space<vmem_shared>>
      tpu.enqueue_dma source(%arg4 : memref<3126x40xf32, #tpu.memory_space<hbm>>) target(%dma_start3A_58 : memref<3126x40xf32, #tpu.memory_space<vmem_shared>>) target_semaphore(%run_scoped3A : memref<!tpu.dma_semaphore, #tpu.memory_space<semaphore_mem>>)
      %dma_wait3A_59 = arith.constant 0 : i32
      %dma_wait3A_60 = tpu.memref_slice %arg8[%mul3A_0, %dma_wait3A_59] : memref<50016x40xf32, #tpu.memory_space<vmem_shared>> -> memref<3126x40xf32, #tpu.memory_space<vmem_shared>>
      tpu.wait_dma2 semaphore(%run_scoped3A : memref<!tpu.dma_semaphore, #tpu.memory_space<semaphore_mem>>) src(%arg4 : memref<3126x40xf32, #tpu.memory_space<hbm>>) dst(%dma_wait3A_60 : memref<3126x40xf32, #tpu.memory_space<vmem_shared>>)
      tpu.yield
    }) : () -> ()
    %barrier3A = arith.constant 0 : index
    tpu.barrier barrier_id(%barrier3A)
    %mul3A_1 = arith.constant 200000 : i32
    %mul3A_2 = arith.muli %arg1, %mul3A_1 : i32
    %add3A = arith.constant 0 : i32
    %add3A_3 = arith.addi %mul3A_2, %add3A : i32
    %dma_start3A = arith.constant 0 : i32
    %dma_start3A_4 = arith.constant 0 : i32
    %dma_start3A_5 = tpu.memref_slice %arg7[%dma_start3A, %dma_start3A_4] : memref<2x40xi32, #tpu.memory_space<vmem>> -> memref<1x40xi32, #tpu.memory_space<vmem>>
    %dma_start3A_6 = tpu.memref_squeeze %dma_start3A_5 : memref<1x40xi32, #tpu.memory_space<vmem>> -> memref<40xi32, #tpu.memory_space<vmem>>
    %dma_start3A_7 = arith.constant 0 : i32
    %dma_start3A_8 = tpu.memref_slice %arg3[%arg0, %dma_start3A_7] : memref<2x3200000xi32, #tpu.memory_space<hbm>> -> memref<1x3200000xi32, #tpu.memory_space<hbm>>
    %dma_start3A_9 = tpu.memref_squeeze %dma_start3A_8 : memref<1x3200000xi32, #tpu.memory_space<hbm>> -> memref<3200000xi32, #tpu.memory_space<hbm>>
    %dma_start3A_10 = tpu.memref_slice %dma_start3A_9[%add3A_3] : memref<3200000xi32, #tpu.memory_space<hbm>> -> memref<40xi32, #tpu.memory_space<hbm>>
    %dma_start3A_11 = arith.constant 0 : i32
    %dma_start3A_12 = tpu.memref_slice %arg7[%dma_start3A, %dma_start3A_11] : memref<2x40xi32, #tpu.memory_space<vmem>> -> memref<1x40xi32, #tpu.memory_space<vmem>>
    %dma_start3A_13 = tpu.memref_squeeze %dma_start3A_12 : memref<1x40xi32, #tpu.memory_space<vmem>> -> memref<40xi32, #tpu.memory_space<vmem>>
    %dma_start3A_14 = arith.constant 0 : i32
    %dma_start3A_15 = tpu.memref_slice %arg3[%arg0, %dma_start3A_14] : memref<2x3200000xi32, #tpu.memory_space<hbm>> -> memref<1x3200000xi32, #tpu.memory_space<hbm>>
    %dma_start3A_16 = tpu.memref_squeeze %dma_start3A_15 : memref<1x3200000xi32, #tpu.memory_space<hbm>> -> memref<3200000xi32, #tpu.memory_space<hbm>>
    %dma_start3A_17 = tpu.memref_slice %dma_start3A_16[%add3A_3] : memref<3200000xi32, #tpu.memory_space<hbm>> -> memref<40xi32, #tpu.memory_space<hbm>>
    tpu.enqueue_dma source(%dma_start3A_17 : memref<40xi32, #tpu.memory_space<hbm>>) target(%dma_start3A_13 : memref<40xi32, #tpu.memory_space<vmem>>) target_semaphore(%arg9 : memref<!tpu.dma_semaphore, #tpu.memory_space<semaphore_mem>>)
    %add3A_18 = arith.constant 0 : i32
    %add3A_19 = arith.addi %mul3A_2, %add3A_18 : i32
    %dma_start3A_20 = arith.constant 0 : i32
    %dma_start3A_21 = arith.constant 0 : i32
    %dma_start3A_22 = arith.constant 0 : i32
    %dma_start3A_23 = tpu.memref_slice %arg6[%dma_start3A_20, %dma_start3A_21, %dma_start3A_22] : memref<2x40x40xf32, #tpu.memory_space<vmem>> -> memref<1x40x40xf32, #tpu.memory_space<vmem>>
    %dma_start3A_24 = tpu.memref_squeeze %dma_start3A_23 : memref<1x40x40xf32, #tpu.memory_space<vmem>> -> memref<40x40xf32, #tpu.memory_space<vmem>>
    %dma_start3A_25 = arith.constant 0 : i32
    %dma_start3A_26 = tpu.memref_slice %arg2[%add3A_19, %dma_start3A_25] : memref<3200000x40xf32, #tpu.memory_space<hbm>> -> memref<40x40xf32, #tpu.memory_space<hbm>>
    %dma_start3A_27 = arith.constant 0 : i32
    %dma_start3A_28 = arith.constant 0 : i32
    %dma_start3A_29 = tpu.memref_slice %arg6[%dma_start3A_20, %dma_start3A_27, %dma_start3A_28] : memref<2x40x40xf32, #tpu.memory_space<vmem>> -> memref<1x40x40xf32, #tpu.memory_space<vmem>>
    %dma_start3A_30 = tpu.memref_squeeze %dma_start3A_29 : memref<1x40x40xf32, #tpu.memory_space<vmem>> -> memref<40x40xf32, #tpu.memory_space<vmem>>
    %dma_start3A_31 = arith.constant 0 : i32
    %dma_start3A_32 = tpu.memref_slice %arg2[%add3A_19, %dma_start3A_31] : memref<3200000x40xf32, #tpu.memory_space<hbm>> -> memref<40x40xf32, #tpu.memory_space<hbm>>
    tpu.enqueue_dma source(%dma_start3A_32 : memref<40x40xf32, #tpu.memory_space<hbm>>) target(%dma_start3A_30 : memref<40x40xf32, #tpu.memory_space<vmem>>) target_semaphore(%arg10 : memref<!tpu.dma_semaphore, #tpu.memory_space<semaphore_mem>>)
    %scan3A = arith.constant 0 : i32
    %scan3A_33 = arith.constant 0 : i32
    %scan3A_34 = arith.constant 2500 : i32
    %scan3A_35 = arith.addi %scan3A_33, %scan3A_34 : i32
    %scan3A_36 = arith.constant 1 : i32
    scf.for %scan3A_57 = %scan3A_33 to %scan3A_35 step %scan3A_36  : i32 {
      %mul3A_58 = arith.constant 2 : i32
      %mul3A_59 = arith.muli %scan3A_57, %mul3A_58 : i32
      %add3A_60 = arith.constant 0 : i32
      %add3A_61 = arith.addi %mul3A_59, %add3A_60 : i32
      %ge3A = arith.constant 1 : i32
      %ge3A_62 = arith.cmpi sge, %add3A_61, %ge3A : i32
      %convert_element_type3A = arith.extui %ge3A_62 : i1 to i32
      %cond3A = arith.constant 0 : i32
      %cond3A_63 = arith.cmpi ne, %convert_element_type3A, %cond3A : i32
      scf.if %cond3A_63 {
        %dma_wait3A_176 = arith.constant 1 : i32
        %dma_wait3A_177 = arith.constant 1 : i32
        %dma_wait3A_178 = arith.constant 0 : i32
        %dma_wait3A_179 = arith.constant 0 : i32
        %dma_wait3A_180 = tpu.memref_slice %arg6[%dma_wait3A_176, %dma_wait3A_178, %dma_wait3A_179] : memref<2x40x40xf32, #tpu.memory_space<vmem>> -> memref<1x40x40xf32, #tpu.memory_space<vmem>>
        %dma_wait3A_181 = tpu.memref_squeeze %dma_wait3A_180 : memref<1x40x40xf32, #tpu.memory_space<vmem>> -> memref<40x40xf32, #tpu.memory_space<vmem>>
        %dma_wait3A_182 = arith.constant 0 : i32
        %dma_wait3A_183 = tpu.memref_slice %arg7[%dma_wait3A_177, %dma_wait3A_182] : memref<2x40xi32, #tpu.memory_space<vmem>> -> memref<1x40xi32, #tpu.memory_space<vmem>>
        %dma_wait3A_184 = tpu.memref_squeeze %dma_wait3A_183 : memref<1x40xi32, #tpu.memory_space<vmem>> -> memref<40xi32, #tpu.memory_space<vmem>>
        %dma_wait3A_185 = arith.constant 0 : i32
        %dma_wait3A_186 = arith.constant 0 : i32
        %dma_wait3A_187 = tpu.memref_slice %arg8[%dma_wait3A_185, %dma_wait3A_186] : memref<50016x40xf32, #tpu.memory_space<vmem_shared>> -> memref<50016x40xf32, #tpu.memory_space<vmem_shared>>
        tpu.wait_indirect_dma semaphore(%arg11 : memref<!tpu.dma_semaphore, #tpu.memory_space<semaphore_mem>>) src(%dma_wait3A_181 : memref<40x40xf32, #tpu.memory_space<vmem>>) dst(%dma_wait3A_187 : memref<50016x40xf32, #tpu.memory_space<vmem_shared>>)
      } else {
      }
      %add3A_64 = arith.constant 1 : i32
      %add3A_65 = arith.addi %add3A_61, %add3A_64 : i32
      %lt3A = arith.constant 5000 : i32
      %lt3A_66 = arith.cmpi slt, %add3A_65, %lt3A : i32
      %convert_element_type3A_67 = arith.extui %lt3A_66 : i1 to i32
      %cond3A_68 = arith.constant 0 : i32
      %cond3A_69 = arith.cmpi ne, %convert_element_type3A_67, %cond3A_68 : i32
      scf.if %cond3A_69 {
        %add3A_176 = arith.constant 1 : i32
        %add3A_177 = arith.addi %add3A_61, %add3A_176 : i32
        %mul3A_178 = arith.constant 40 : i32
        %mul3A_179 = arith.muli %add3A_177, %mul3A_178 : i32
        %add3A_180 = arith.addi %mul3A_2, %mul3A_179 : i32
        %dma_start3A_181 = arith.constant 1 : i32
        %dma_start3A_182 = arith.constant 0 : i32
        %dma_start3A_183 = tpu.memref_slice %arg7[%dma_start3A_181, %dma_start3A_182] : memref<2x40xi32, #tpu.memory_space<vmem>> -> memref<1x40xi32, #tpu.memory_space<vmem>>
        %dma_start3A_184 = tpu.memref_squeeze %dma_start3A_183 : memref<1x40xi32, #tpu.memory_space<vmem>> -> memref<40xi32, #tpu.memory_space<vmem>>
        %dma_start3A_185 = arith.constant 0 : i32
        %dma_start3A_186 = tpu.memref_slice %arg3[%arg0, %dma_start3A_185] : memref<2x3200000xi32, #tpu.memory_space<hbm>> -> memref<1x3200000xi32, #tpu.memory_space<hbm>>
        %dma_start3A_187 = tpu.memref_squeeze %dma_start3A_186 : memref<1x3200000xi32, #tpu.memory_space<hbm>> -> memref<3200000xi32, #tpu.memory_space<hbm>>
        %dma_start3A_188 = tpu.memref_slice %dma_start3A_187[%add3A_180] : memref<3200000xi32, #tpu.memory_space<hbm>> -> memref<40xi32, #tpu.memory_space<hbm>>
        %dma_start3A_189 = arith.constant 0 : i32
        %dma_start3A_190 = tpu.memref_slice %arg7[%dma_start3A_181, %dma_start3A_189] : memref<2x40xi32, #tpu.memory_space<vmem>> -> memref<1x40xi32, #tpu.memory_space<vmem>>
        %dma_start3A_191 = tpu.memref_squeeze %dma_start3A_190 : memref<1x40xi32, #tpu.memory_space<vmem>> -> memref<40xi32, #tpu.memory_space<vmem>>
        %dma_start3A_192 = arith.constant 0 : i32
        %dma_start3A_193 = tpu.memref_slice %arg3[%arg0, %dma_start3A_192] : memref<2x3200000xi32, #tpu.memory_space<hbm>> -> memref<1x3200000xi32, #tpu.memory_space<hbm>>
        %dma_start3A_194 = tpu.memref_squeeze %dma_start3A_193 : memref<1x3200000xi32, #tpu.memory_space<hbm>> -> memref<3200000xi32, #tpu.memory_space<hbm>>
        %dma_start3A_195 = tpu.memref_slice %dma_start3A_194[%add3A_180] : memref<3200000xi32, #tpu.memory_space<hbm>> -> memref<40xi32, #tpu.memory_space<hbm>>
        tpu.enqueue_dma source(%dma_start3A_195 : memref<40xi32, #tpu.memory_space<hbm>>) target(%dma_start3A_191 : memref<40xi32, #tpu.memory_space<vmem>>) target_semaphore(%arg9 : memref<!tpu.dma_semaphore, #tpu.memory_space<semaphore_mem>>)
        %mul3A_196 = arith.constant 40 : i32
        %mul3A_197 = arith.muli %add3A_177, %mul3A_196 : i32
        %add3A_198 = arith.addi %mul3A_2, %mul3A_197 : i32
        %dma_start3A_199 = arith.constant 1 : i32
        %dma_start3A_200 = arith.constant 0 : i32
        %dma_start3A_201 = arith.constant 0 : i32
        %dma_start3A_202 = tpu.memref_slice %arg6[%dma_start3A_199, %dma_start3A_200, %dma_start3A_201] : memref<2x40x40xf32, #tpu.memory_space<vmem>> -> memref<1x40x40xf32, #tpu.memory_space<vmem>>
        %dma_start3A_203 = tpu.memref_squeeze %dma_start3A_202 : memref<1x40x40xf32, #tpu.memory_space<vmem>> -> memref<40x40xf32, #tpu.memory_space<vmem>>
        %dma_start3A_204 = arith.constant 0 : i32
        %dma_start3A_205 = tpu.memref_slice %arg2[%add3A_198, %dma_start3A_204] : memref<3200000x40xf32, #tpu.memory_space<hbm>> -> memref<40x40xf32, #tpu.memory_space<hbm>>
        %dma_start3A_206 = arith.constant 0 : i32
        %dma_start3A_207 = arith.constant 0 : i32
        %dma_start3A_208 = tpu.memref_slice %arg6[%dma_start3A_199, %dma_start3A_206, %dma_start3A_207] : memref<2x40x40xf32, #tpu.memory_space<vmem>> -> memref<1x40x40xf32, #tpu.memory_space<vmem>>
        %dma_start3A_209 = tpu.memref_squeeze %dma_start3A_208 : memref<1x40x40xf32, #tpu.memory_space<vmem>> -> memref<40x40xf32, #tpu.memory_space<vmem>>
        %dma_start3A_210 = arith.constant 0 : i32
        %dma_start3A_211 = tpu.memref_slice %arg2[%add3A_198, %dma_start3A_210] : memref<3200000x40xf32, #tpu.memory_space<hbm>> -> memref<40x40xf32, #tpu.memory_space<hbm>>
        tpu.enqueue_dma source(%dma_start3A_211 : memref<40x40xf32, #tpu.memory_space<hbm>>) target(%dma_start3A_209 : memref<40x40xf32, #tpu.memory_space<vmem>>) target_semaphore(%arg10 : memref<!tpu.dma_semaphore, #tpu.memory_space<semaphore_mem>>)
      } else {
      }
      %add3A_70 = arith.constant 0 : i32
      %add3A_71 = arith.addi %mul3A_2, %add3A_70 : i32
      %dma_wait3A_72 = arith.constant 0 : i32
      %dma_wait3A_73 = arith.constant 0 : i32
      %dma_wait3A_74 = arith.constant 0 : i32
      %dma_wait3A_75 = tpu.memref_slice %arg7[%dma_wait3A_73, %dma_wait3A_74] : memref<2x40xi32, #tpu.memory_space<vmem>> -> memref<1x40xi32, #tpu.memory_space<vmem>>
      %dma_wait3A_76 = tpu.memref_squeeze %dma_wait3A_75 : memref<1x40xi32, #tpu.memory_space<vmem>> -> memref<40xi32, #tpu.memory_space<vmem>>
      %dma_wait3A_77 = arith.constant 0 : i32
      %dma_wait3A_78 = tpu.memref_slice %arg3[%dma_wait3A_72, %dma_wait3A_77] : memref<2x3200000xi32, #tpu.memory_space<hbm>> -> memref<1x3200000xi32, #tpu.memory_space<hbm>>
      %dma_wait3A_79 = tpu.memref_squeeze %dma_wait3A_78 : memref<1x3200000xi32, #tpu.memory_space<hbm>> -> memref<3200000xi32, #tpu.memory_space<hbm>>
      %dma_wait3A_80 = tpu.memref_slice %dma_wait3A_79[%add3A_71] : memref<3200000xi32, #tpu.memory_space<hbm>> -> memref<40xi32, #tpu.memory_space<hbm>>
      %dma_wait3A_81 = arith.constant 0 : i32
      %dma_wait3A_82 = tpu.memref_slice %arg7[%dma_wait3A_73, %dma_wait3A_81] : memref<2x40xi32, #tpu.memory_space<vmem>> -> memref<1x40xi32, #tpu.memory_space<vmem>>
      %dma_wait3A_83 = tpu.memref_squeeze %dma_wait3A_82 : memref<1x40xi32, #tpu.memory_space<vmem>> -> memref<40xi32, #tpu.memory_space<vmem>>
      %dma_wait3A_84 = arith.constant 0 : i32
      %dma_wait3A_85 = tpu.memref_slice %arg3[%dma_wait3A_72, %dma_wait3A_84] : memref<2x3200000xi32, #tpu.memory_space<hbm>> -> memref<1x3200000xi32, #tpu.memory_space<hbm>>
      %dma_wait3A_86 = tpu.memref_squeeze %dma_wait3A_85 : memref<1x3200000xi32, #tpu.memory_space<hbm>> -> memref<3200000xi32, #tpu.memory_space<hbm>>
      %dma_wait3A_87 = tpu.memref_slice %dma_wait3A_86[%add3A_71] : memref<3200000xi32, #tpu.memory_space<hbm>> -> memref<40xi32, #tpu.memory_space<hbm>>
      tpu.wait_dma2 semaphore(%arg9 : memref<!tpu.dma_semaphore, #tpu.memory_space<semaphore_mem>>) src(%dma_wait3A_87 : memref<40xi32, #tpu.memory_space<hbm>>) dst(%dma_wait3A_83 : memref<40xi32, #tpu.memory_space<vmem>>)
      %add3A_88 = arith.constant 0 : i32
      %add3A_89 = arith.addi %mul3A_2, %add3A_88 : i32
      %dma_wait3A_90 = arith.constant 0 : i32
      %dma_wait3A_91 = arith.constant 0 : i32
      %dma_wait3A_92 = arith.constant 0 : i32
      %dma_wait3A_93 = tpu.memref_slice %arg6[%dma_wait3A_90, %dma_wait3A_91, %dma_wait3A_92] : memref<2x40x40xf32, #tpu.memory_space<vmem>> -> memref<1x40x40xf32, #tpu.memory_space<vmem>>
      %dma_wait3A_94 = tpu.memref_squeeze %dma_wait3A_93 : memref<1x40x40xf32, #tpu.memory_space<vmem>> -> memref<40x40xf32, #tpu.memory_space<vmem>>
      %dma_wait3A_95 = arith.constant 0 : i32
      %dma_wait3A_96 = tpu.memref_slice %arg2[%add3A_89, %dma_wait3A_95] : memref<3200000x40xf32, #tpu.memory_space<hbm>> -> memref<40x40xf32, #tpu.memory_space<hbm>>
      %dma_wait3A_97 = arith.constant 0 : i32
      %dma_wait3A_98 = arith.constant 0 : i32
      %dma_wait3A_99 = tpu.memref_slice %arg6[%dma_wait3A_90, %dma_wait3A_97, %dma_wait3A_98] : memref<2x40x40xf32, #tpu.memory_space<vmem>> -> memref<1x40x40xf32, #tpu.memory_space<vmem>>
      %dma_wait3A_100 = tpu.memref_squeeze %dma_wait3A_99 : memref<1x40x40xf32, #tpu.memory_space<vmem>> -> memref<40x40xf32, #tpu.memory_space<vmem>>
      %dma_wait3A_101 = arith.constant 0 : i32
      %dma_wait3A_102 = tpu.memref_slice %arg2[%add3A_89, %dma_wait3A_101] : memref<3200000x40xf32, #tpu.memory_space<hbm>> -> memref<40x40xf32, #tpu.memory_space<hbm>>
      tpu.wait_dma2 semaphore(%arg10 : memref<!tpu.dma_semaphore, #tpu.memory_space<semaphore_mem>>) src(%dma_wait3A_102 : memref<40x40xf32, #tpu.memory_space<hbm>>) dst(%dma_wait3A_100 : memref<40x40xf32, #tpu.memory_space<vmem>>)
      %dma_start3A_103 = arith.constant 0 : i32
      %dma_start3A_104 = arith.constant 0 : i32
      %dma_start3A_105 = arith.constant 0 : i32
      %dma_start3A_106 = arith.constant 0 : i32
      %dma_start3A_107 = tpu.memref_slice %arg6[%dma_start3A_103, %dma_start3A_105, %dma_start3A_106] : memref<2x40x40xf32, #tpu.memory_space<vmem>> -> memref<1x40x40xf32, #tpu.memory_space<vmem>>
      %dma_start3A_108 = tpu.memref_squeeze %dma_start3A_107 : memref<1x40x40xf32, #tpu.memory_space<vmem>> -> memref<40x40xf32, #tpu.memory_space<vmem>>
      %dma_start3A_109 = arith.constant 0 : i32
      %dma_start3A_110 = tpu.memref_slice %arg7[%dma_start3A_104, %dma_start3A_109] : memref<2x40xi32, #tpu.memory_space<vmem>> -> memref<1x40xi32, #tpu.memory_space<vmem>>
      %dma_start3A_111 = tpu.memref_squeeze %dma_start3A_110 : memref<1x40xi32, #tpu.memory_space<vmem>> -> memref<40xi32, #tpu.memory_space<vmem>>
      %dma_start3A_112 = arith.constant 0 : i32
      %dma_start3A_113 = arith.constant 0 : i32
      %dma_start3A_114 = tpu.memref_slice %arg8[%dma_start3A_112, %dma_start3A_113] : memref<50016x40xf32, #tpu.memory_space<vmem_shared>> -> memref<50016x40xf32, #tpu.memory_space<vmem_shared>>
      tpu.enqueue_indirect_dma source(%dma_start3A_108 : memref<40x40xf32, #tpu.memory_space<vmem>>) target(%dma_start3A_114 : memref<50016x40xf32, #tpu.memory_space<vmem_shared>>) offsets(%dma_start3A_111 : memref<40xi32, #tpu.memory_space<vmem>>) semaphore(%arg11 : memref<!tpu.dma_semaphore, #tpu.memory_space<semaphore_mem>>) {add = true}
      %mul3A_115 = arith.constant 2 : i32
      %mul3A_116 = arith.muli %scan3A_57, %mul3A_115 : i32
      %add3A_117 = arith.constant 1 : i32
      %add3A_118 = arith.addi %mul3A_116, %add3A_117 : i32
      %ge3A_119 = arith.constant 1 : i32
      %ge3A_120 = arith.cmpi sge, %add3A_118, %ge3A_119 : i32
      %convert_element_type3A_121 = arith.extui %ge3A_120 : i1 to i32
      %cond3A_122 = arith.constant 0 : i32
      %cond3A_123 = arith.cmpi ne, %convert_element_type3A_121, %cond3A_122 : i32
      scf.if %cond3A_123 {
        %dma_wait3A_176 = arith.constant 0 : i32
        %dma_wait3A_177 = arith.constant 0 : i32
        %dma_wait3A_178 = arith.constant 0 : i32
        %dma_wait3A_179 = arith.constant 0 : i32
        %dma_wait3A_180 = tpu.memref_slice %arg6[%dma_wait3A_176, %dma_wait3A_178, %dma_wait3A_179] : memref<2x40x40xf32, #tpu.memory_space<vmem>> -> memref<1x40x40xf32, #tpu.memory_space<vmem>>
        %dma_wait3A_181 = tpu.memref_squeeze %dma_wait3A_180 : memref<1x40x40xf32, #tpu.memory_space<vmem>> -> memref<40x40xf32, #tpu.memory_space<vmem>>
        %dma_wait3A_182 = arith.constant 0 : i32
        %dma_wait3A_183 = tpu.memref_slice %arg7[%dma_wait3A_177, %dma_wait3A_182] : memref<2x40xi32, #tpu.memory_space<vmem>> -> memref<1x40xi32, #tpu.memory_space<vmem>>
        %dma_wait3A_184 = tpu.memref_squeeze %dma_wait3A_183 : memref<1x40xi32, #tpu.memory_space<vmem>> -> memref<40xi32, #tpu.memory_space<vmem>>
        %dma_wait3A_185 = arith.constant 0 : i32
        %dma_wait3A_186 = arith.constant 0 : i32
        %dma_wait3A_187 = tpu.memref_slice %arg8[%dma_wait3A_185, %dma_wait3A_186] : memref<50016x40xf32, #tpu.memory_space<vmem_shared>> -> memref<50016x40xf32, #tpu.memory_space<vmem_shared>>
        tpu.wait_indirect_dma semaphore(%arg11 : memref<!tpu.dma_semaphore, #tpu.memory_space<semaphore_mem>>) src(%dma_wait3A_181 : memref<40x40xf32, #tpu.memory_space<vmem>>) dst(%dma_wait3A_187 : memref<50016x40xf32, #tpu.memory_space<vmem_shared>>)
      } else {
      }
      %add3A_124 = arith.constant 1 : i32
      %add3A_125 = arith.addi %add3A_118, %add3A_124 : i32
      %lt3A_126 = arith.constant 5000 : i32
      %lt3A_127 = arith.cmpi slt, %add3A_125, %lt3A_126 : i32
      %convert_element_type3A_128 = arith.extui %lt3A_127 : i1 to i32
      %cond3A_129 = arith.constant 0 : i32
      %cond3A_130 = arith.cmpi ne, %convert_element_type3A_128, %cond3A_129 : i32
      scf.if %cond3A_130 {
        %add3A_176 = arith.constant 1 : i32
        %add3A_177 = arith.addi %add3A_118, %add3A_176 : i32
        %mul3A_178 = arith.constant 40 : i32
        %mul3A_179 = arith.muli %add3A_177, %mul3A_178 : i32
        %add3A_180 = arith.addi %mul3A_2, %mul3A_179 : i32
        %dma_start3A_181 = arith.constant 0 : i32
        %dma_start3A_182 = arith.constant 0 : i32
        %dma_start3A_183 = tpu.memref_slice %arg7[%dma_start3A_181, %dma_start3A_182] : memref<2x40xi32, #tpu.memory_space<vmem>> -> memref<1x40xi32, #tpu.memory_space<vmem>>
        %dma_start3A_184 = tpu.memref_squeeze %dma_start3A_183 : memref<1x40xi32, #tpu.memory_space<vmem>> -> memref<40xi32, #tpu.memory_space<vmem>>
        %dma_start3A_185 = arith.constant 0 : i32
        %dma_start3A_186 = tpu.memref_slice %arg3[%arg0, %dma_start3A_185] : memref<2x3200000xi32, #tpu.memory_space<hbm>> -> memref<1x3200000xi32, #tpu.memory_space<hbm>>
        %dma_start3A_187 = tpu.memref_squeeze %dma_start3A_186 : memref<1x3200000xi32, #tpu.memory_space<hbm>> -> memref<3200000xi32, #tpu.memory_space<hbm>>
        %dma_start3A_188 = tpu.memref_slice %dma_start3A_187[%add3A_180] : memref<3200000xi32, #tpu.memory_space<hbm>> -> memref<40xi32, #tpu.memory_space<hbm>>
        %dma_start3A_189 = arith.constant 0 : i32
        %dma_start3A_190 = tpu.memref_slice %arg7[%dma_start3A_181, %dma_start3A_189] : memref<2x40xi32, #tpu.memory_space<vmem>> -> memref<1x40xi32, #tpu.memory_space<vmem>>
        %dma_start3A_191 = tpu.memref_squeeze %dma_start3A_190 : memref<1x40xi32, #tpu.memory_space<vmem>> -> memref<40xi32, #tpu.memory_space<vmem>>
        %dma_start3A_192 = arith.constant 0 : i32
        %dma_start3A_193 = tpu.memref_slice %arg3[%arg0, %dma_start3A_192] : memref<2x3200000xi32, #tpu.memory_space<hbm>> -> memref<1x3200000xi32, #tpu.memory_space<hbm>>
        %dma_start3A_194 = tpu.memref_squeeze %dma_start3A_193 : memref<1x3200000xi32, #tpu.memory_space<hbm>> -> memref<3200000xi32, #tpu.memory_space<hbm>>
        %dma_start3A_195 = tpu.memref_slice %dma_start3A_194[%add3A_180] : memref<3200000xi32, #tpu.memory_space<hbm>> -> memref<40xi32, #tpu.memory_space<hbm>>
        tpu.enqueue_dma source(%dma_start3A_195 : memref<40xi32, #tpu.memory_space<hbm>>) target(%dma_start3A_191 : memref<40xi32, #tpu.memory_space<vmem>>) target_semaphore(%arg9 : memref<!tpu.dma_semaphore, #tpu.memory_space<semaphore_mem>>)
        %mul3A_196 = arith.constant 40 : i32
        %mul3A_197 = arith.muli %add3A_177, %mul3A_196 : i32
        %add3A_198 = arith.addi %mul3A_2, %mul3A_197 : i32
        %dma_start3A_199 = arith.constant 0 : i32
        %dma_start3A_200 = arith.constant 0 : i32
        %dma_start3A_201 = arith.constant 0 : i32
        %dma_start3A_202 = tpu.memref_slice %arg6[%dma_start3A_199, %dma_start3A_200, %dma_start3A_201] : memref<2x40x40xf32, #tpu.memory_space<vmem>> -> memref<1x40x40xf32, #tpu.memory_space<vmem>>
        %dma_start3A_203 = tpu.memref_squeeze %dma_start3A_202 : memref<1x40x40xf32, #tpu.memory_space<vmem>> -> memref<40x40xf32, #tpu.memory_space<vmem>>
        %dma_start3A_204 = arith.constant 0 : i32
        %dma_start3A_205 = tpu.memref_slice %arg2[%add3A_198, %dma_start3A_204] : memref<3200000x40xf32, #tpu.memory_space<hbm>> -> memref<40x40xf32, #tpu.memory_space<hbm>>
        %dma_start3A_206 = arith.constant 0 : i32
        %dma_start3A_207 = arith.constant 0 : i32
        %dma_start3A_208 = tpu.memref_slice %arg6[%dma_start3A_199, %dma_start3A_206, %dma_start3A_207] : memref<2x40x40xf32, #tpu.memory_space<vmem>> -> memref<1x40x40xf32, #tpu.memory_space<vmem>>
        %dma_start3A_209 = tpu.memref_squeeze %dma_start3A_208 : memref<1x40x40xf32, #tpu.memory_space<vmem>> -> memref<40x40xf32, #tpu.memory_space<vmem>>
        %dma_start3A_210 = arith.constant 0 : i32
        %dma_start3A_211 = tpu.memref_slice %arg2[%add3A_198, %dma_start3A_210] : memref<3200000x40xf32, #tpu.memory_space<hbm>> -> memref<40x40xf32, #tpu.memory_space<hbm>>
        tpu.enqueue_dma source(%dma_start3A_211 : memref<40x40xf32, #tpu.memory_space<hbm>>) target(%dma_start3A_209 : memref<40x40xf32, #tpu.memory_space<vmem>>) target_semaphore(%arg10 : memref<!tpu.dma_semaphore, #tpu.memory_space<semaphore_mem>>)
      } else {
      }
      %add3A_131 = arith.constant 0 : i32
      %add3A_132 = arith.addi %mul3A_2, %add3A_131 : i32
      %dma_wait3A_133 = arith.constant 0 : i32
      %dma_wait3A_134 = arith.constant 1 : i32
      %dma_wait3A_135 = arith.constant 0 : i32
      %dma_wait3A_136 = tpu.memref_slice %arg7[%dma_wait3A_134, %dma_wait3A_135] : memref<2x40xi32, #tpu.memory_space<vmem>> -> memref<1x40xi32, #tpu.memory_space<vmem>>
      %dma_wait3A_137 = tpu.memref_squeeze %dma_wait3A_136 : memref<1x40xi32, #tpu.memory_space<vmem>> -> memref<40xi32, #tpu.memory_space<vmem>>
      %dma_wait3A_138 = arith.constant 0 : i32
      %dma_wait3A_139 = tpu.memref_slice %arg3[%dma_wait3A_133, %dma_wait3A_138] : memref<2x3200000xi32, #tpu.memory_space<hbm>> -> memref<1x3200000xi32, #tpu.memory_space<hbm>>
      %dma_wait3A_140 = tpu.memref_squeeze %dma_wait3A_139 : memref<1x3200000xi32, #tpu.memory_space<hbm>> -> memref<3200000xi32, #tpu.memory_space<hbm>>
      %dma_wait3A_141 = tpu.memref_slice %dma_wait3A_140[%add3A_132] : memref<3200000xi32, #tpu.memory_space<hbm>> -> memref<40xi32, #tpu.memory_space<hbm>>
      %dma_wait3A_142 = arith.constant 0 : i32
      %dma_wait3A_143 = tpu.memref_slice %arg7[%dma_wait3A_134, %dma_wait3A_142] : memref<2x40xi32, #tpu.memory_space<vmem>> -> memref<1x40xi32, #tpu.memory_space<vmem>>
      %dma_wait3A_144 = tpu.memref_squeeze %dma_wait3A_143 : memref<1x40xi32, #tpu.memory_space<vmem>> -> memref<40xi32, #tpu.memory_space<vmem>>
      %dma_wait3A_145 = arith.constant 0 : i32
      %dma_wait3A_146 = tpu.memref_slice %arg3[%dma_wait3A_133, %dma_wait3A_145] : memref<2x3200000xi32, #tpu.memory_space<hbm>> -> memref<1x3200000xi32, #tpu.memory_space<hbm>>
      %dma_wait3A_147 = tpu.memref_squeeze %dma_wait3A_146 : memref<1x3200000xi32, #tpu.memory_space<hbm>> -> memref<3200000xi32, #tpu.memory_space<hbm>>
      %dma_wait3A_148 = tpu.memref_slice %dma_wait3A_147[%add3A_132] : memref<3200000xi32, #tpu.memory_space<hbm>> -> memref<40xi32, #tpu.memory_space<hbm>>
      tpu.wait_dma2 semaphore(%arg9 : memref<!tpu.dma_semaphore, #tpu.memory_space<semaphore_mem>>) src(%dma_wait3A_148 : memref<40xi32, #tpu.memory_space<hbm>>) dst(%dma_wait3A_144 : memref<40xi32, #tpu.memory_space<vmem>>)
      %add3A_149 = arith.constant 0 : i32
      %add3A_150 = arith.addi %mul3A_2, %add3A_149 : i32
      %dma_wait3A_151 = arith.constant 1 : i32
      %dma_wait3A_152 = arith.constant 0 : i32
      %dma_wait3A_153 = arith.constant 0 : i32
      %dma_wait3A_154 = tpu.memref_slice %arg6[%dma_wait3A_151, %dma_wait3A_152, %dma_wait3A_153] : memref<2x40x40xf32, #tpu.memory_space<vmem>> -> memref<1x40x40xf32, #tpu.memory_space<vmem>>
      %dma_wait3A_155 = tpu.memref_squeeze %dma_wait3A_154 : memref<1x40x40xf32, #tpu.memory_space<vmem>> -> memref<40x40xf32, #tpu.memory_space<vmem>>
      %dma_wait3A_156 = arith.constant 0 : i32
      %dma_wait3A_157 = tpu.memref_slice %arg2[%add3A_150, %dma_wait3A_156] : memref<3200000x40xf32, #tpu.memory_space<hbm>> -> memref<40x40xf32, #tpu.memory_space<hbm>>
      %dma_wait3A_158 = arith.constant 0 : i32
      %dma_wait3A_159 = arith.constant 0 : i32
      %dma_wait3A_160 = tpu.memref_slice %arg6[%dma_wait3A_151, %dma_wait3A_158, %dma_wait3A_159] : memref<2x40x40xf32, #tpu.memory_space<vmem>> -> memref<1x40x40xf32, #tpu.memory_space<vmem>>
      %dma_wait3A_161 = tpu.memref_squeeze %dma_wait3A_160 : memref<1x40x40xf32, #tpu.memory_space<vmem>> -> memref<40x40xf32, #tpu.memory_space<vmem>>
      %dma_wait3A_162 = arith.constant 0 : i32
      %dma_wait3A_163 = tpu.memref_slice %arg2[%add3A_150, %dma_wait3A_162] : memref<3200000x40xf32, #tpu.memory_space<hbm>> -> memref<40x40xf32, #tpu.memory_space<hbm>>
      tpu.wait_dma2 semaphore(%arg10 : memref<!tpu.dma_semaphore, #tpu.memory_space<semaphore_mem>>) src(%dma_wait3A_163 : memref<40x40xf32, #tpu.memory_space<hbm>>) dst(%dma_wait3A_161 : memref<40x40xf32, #tpu.memory_space<vmem>>)
      %dma_start3A_164 = arith.constant 1 : i32
      %dma_start3A_165 = arith.constant 1 : i32
      %dma_start3A_166 = arith.constant 0 : i32
      %dma_start3A_167 = arith.constant 0 : i32
      %dma_start3A_168 = tpu.memref_slice %arg6[%dma_start3A_164, %dma_start3A_166, %dma_start3A_167] : memref<2x40x40xf32, #tpu.memory_space<vmem>> -> memref<1x40x40xf32, #tpu.memory_space<vmem>>
      %dma_start3A_169 = tpu.memref_squeeze %dma_start3A_168 : memref<1x40x40xf32, #tpu.memory_space<vmem>> -> memref<40x40xf32, #tpu.memory_space<vmem>>
      %dma_start3A_170 = arith.constant 0 : i32
      %dma_start3A_171 = tpu.memref_slice %arg7[%dma_start3A_165, %dma_start3A_170] : memref<2x40xi32, #tpu.memory_space<vmem>> -> memref<1x40xi32, #tpu.memory_space<vmem>>
      %dma_start3A_172 = tpu.memref_squeeze %dma_start3A_171 : memref<1x40xi32, #tpu.memory_space<vmem>> -> memref<40xi32, #tpu.memory_space<vmem>>
      %dma_start3A_173 = arith.constant 0 : i32
      %dma_start3A_174 = arith.constant 0 : i32
      %dma_start3A_175 = tpu.memref_slice %arg8[%dma_start3A_173, %dma_start3A_174] : memref<50016x40xf32, #tpu.memory_space<vmem_shared>> -> memref<50016x40xf32, #tpu.memory_space<vmem_shared>>
      tpu.enqueue_indirect_dma source(%dma_start3A_169 : memref<40x40xf32, #tpu.memory_space<vmem>>) target(%dma_start3A_175 : memref<50016x40xf32, #tpu.memory_space<vmem_shared>>) offsets(%dma_start3A_172 : memref<40xi32, #tpu.memory_space<vmem>>) semaphore(%arg11 : memref<!tpu.dma_semaphore, #tpu.memory_space<semaphore_mem>>) {add = true}
    }
    %scan3A_37 = arith.constant 2500 : i32
    %dma_wait3A = arith.constant 1 : i32
    %dma_wait3A_38 = arith.constant 1 : i32
    %dma_wait3A_39 = arith.constant 0 : i32
    %dma_wait3A_40 = arith.constant 0 : i32
    %dma_wait3A_41 = tpu.memref_slice %arg6[%dma_wait3A, %dma_wait3A_39, %dma_wait3A_40] : memref<2x40x40xf32, #tpu.memory_space<vmem>> -> memref<1x40x40xf32, #tpu.memory_space<vmem>>
    %dma_wait3A_42 = tpu.memref_squeeze %dma_wait3A_41 : memref<1x40x40xf32, #tpu.memory_space<vmem>> -> memref<40x40xf32, #tpu.memory_space<vmem>>
    %dma_wait3A_43 = arith.constant 0 : i32
    %dma_wait3A_44 = tpu.memref_slice %arg7[%dma_wait3A_38, %dma_wait3A_43] : memref<2x40xi32, #tpu.memory_space<vmem>> -> memref<1x40xi32, #tpu.memory_space<vmem>>
    %dma_wait3A_45 = tpu.memref_squeeze %dma_wait3A_44 : memref<1x40xi32, #tpu.memory_space<vmem>> -> memref<40xi32, #tpu.memory_space<vmem>>
    %dma_wait3A_46 = arith.constant 0 : i32
    %dma_wait3A_47 = arith.constant 0 : i32
    %dma_wait3A_48 = tpu.memref_slice %arg8[%dma_wait3A_46, %dma_wait3A_47] : memref<50016x40xf32, #tpu.memory_space<vmem_shared>> -> memref<50016x40xf32, #tpu.memory_space<vmem_shared>>
    tpu.wait_indirect_dma semaphore(%arg11 : memref<!tpu.dma_semaphore, #tpu.memory_space<semaphore_mem>>) src(%dma_wait3A_42 : memref<40x40xf32, #tpu.memory_space<vmem>>) dst(%dma_wait3A_48 : memref<50016x40xf32, #tpu.memory_space<vmem_shared>>)
    %barrier3A_49 = arith.constant 0 : index
    tpu.barrier barrier_id(%barrier3A_49)
    %mul3A_50 = arith.constant 3125 : i32
    %mul3A_51 = arith.muli %arg1, %mul3A_50 : i32
    %mul3A_52 = arith.constant 50000 : i32
    %mul3A_53 = arith.muli %arg0, %mul3A_52 : i32
    %mul3A_54 = arith.constant 3125 : i32
    %mul3A_55 = arith.muli %arg1, %mul3A_54 : i32
    %add3A_56 = arith.addi %mul3A_53, %mul3A_55 : i32
    "tpu.region"() ({
      %run_scoped3A = tpu.sem_alloc : memref<!tpu.dma_semaphore, #tpu.memory_space<semaphore_mem>>
      %dma_start3A_57 = arith.constant 0 : i32
      %dma_start3A_58 = tpu.memref_slice %arg5[%add3A_56, %dma_start3A_57] : memref<100000x40xf32, #tpu.memory_space<hbm>> -> memref<3125x40xf32, #tpu.memory_space<hbm>>
      %dma_start3A_59 = arith.constant 0 : i32
      %dma_start3A_60 = tpu.memref_slice %arg8[%mul3A_51, %dma_start3A_59] : memref<50016x40xf32, #tpu.memory_space<vmem_shared>> -> memref<3125x40xf32, #tpu.memory_space<vmem_shared>>
      tpu.enqueue_dma source(%dma_start3A_60 : memref<3125x40xf32, #tpu.memory_space<vmem_shared>>) target(%dma_start3A_58 : memref<3125x40xf32, #tpu.memory_space<hbm>>) target_semaphore(%run_scoped3A : memref<!tpu.dma_semaphore, #tpu.memory_space<semaphore_mem>>)
      %dma_wait3A_61 = arith.constant 0 : i32
      %dma_wait3A_62 = tpu.memref_slice %arg5[%add3A_56, %dma_wait3A_61] : memref<100000x40xf32, #tpu.memory_space<hbm>> -> memref<3125x40xf32, #tpu.memory_space<hbm>>
      %dma_wait3A_63 = arith.constant 0 : i32
      %dma_wait3A_64 = tpu.memref_slice %arg8[%mul3A_51, %dma_wait3A_63] : memref<50016x40xf32, #tpu.memory_space<vmem_shared>> -> memref<3125x40xf32, #tpu.memory_space<vmem_shared>>
      tpu.wait_dma2 semaphore(%run_scoped3A : memref<!tpu.dma_semaphore, #tpu.memory_space<semaphore_mem>>) src(%dma_wait3A_64 : memref<3125x40xf32, #tpu.memory_space<vmem_shared>>) dst(%dma_wait3A_62 : memref<3125x40xf32, #tpu.memory_space<hbm>>)
      tpu.yield
    }) : () -> ()
    return
  }
}

#map = affine_map<(d0, d1) -> (0, 0)>
#map1 = affine_map<(d0, d1) -> (0)>
module attributes {stable_mosaic.version = 14 : i64} {
  func.func @gk(%arg0: i32, %arg1: i32, %arg2: memref<100000x24xf32, #tpu.memory_space<hbm>>, %arg3: memref<3200000xi32, #tpu.memory_space<hbm>>, %arg4: memref<3200000x24xf32, #tpu.memory_space<hbm>>, %arg5: memref<2000xi32, #tpu.memory_space<vmem>>, %arg6: memref<2000x24xf32, #tpu.memory_space<vmem>>, %arg7: memref<!tpu.dma_semaphore, #tpu.memory_space<semaphore_mem>>) attributes {dimension_semantics = [#tpu.dimension_semantics<core_parallel>, #tpu.dimension_semantics<subcore_parallel>], iteration_bounds = array<i64: 2, 16>, scalar_prefetch = 0 : i64, scratch_operands = 3 : i64, tpu.core_type = #tpu.core_type<sc_vector_subcore>, window_params = [{transform_indices = #map}, {transform_indices = #map1}, {transform_indices = #map}]} {
    %mul3A = arith.constant 2 : i32
    %mul3A_0 = arith.muli %arg1, %mul3A : i32
    %add3A = arith.addi %mul3A_0, %arg0 : i32
    %mul3A_1 = arith.constant 100000 : i32
    %mul3A_2 = arith.muli %add3A, %mul3A_1 : i32
    %scan3A = arith.constant 0 : i32
    %scan3A_3 = arith.constant 0 : i32
    %scan3A_4 = arith.constant 50 : i32
    %scan3A_5 = arith.addi %scan3A_3, %scan3A_4 : i32
    %scan3A_6 = arith.constant 1 : i32
    scf.for %scan3A_8 = %scan3A_3 to %scan3A_5 step %scan3A_6  : i32 {
      %mul3A_9 = arith.constant 2000 : i32
      %mul3A_10 = arith.muli %scan3A_8, %mul3A_9 : i32
      %add3A_11 = arith.addi %mul3A_2, %mul3A_10 : i32
      "tpu.region"() ({
        %run_scoped3A = tpu.sem_alloc : memref<!tpu.dma_semaphore, #tpu.memory_space<semaphore_mem>>
        %dma_start3A_16 = tpu.memref_slice %arg3[%add3A_11] : memref<3200000xi32, #tpu.memory_space<hbm>> -> memref<2000xi32, #tpu.memory_space<hbm>>
        %dma_start3A_17 = tpu.memref_slice %arg3[%add3A_11] : memref<3200000xi32, #tpu.memory_space<hbm>> -> memref<2000xi32, #tpu.memory_space<hbm>>
        tpu.enqueue_dma source(%dma_start3A_17 : memref<2000xi32, #tpu.memory_space<hbm>>) target(%arg5 : memref<2000xi32, #tpu.memory_space<vmem>>) target_semaphore(%run_scoped3A : memref<!tpu.dma_semaphore, #tpu.memory_space<semaphore_mem>>)
        %dma_wait3A_18 = tpu.memref_slice %arg3[%add3A_11] : memref<3200000xi32, #tpu.memory_space<hbm>> -> memref<2000xi32, #tpu.memory_space<hbm>>
        %dma_wait3A_19 = tpu.memref_slice %arg3[%add3A_11] : memref<3200000xi32, #tpu.memory_space<hbm>> -> memref<2000xi32, #tpu.memory_space<hbm>>
        tpu.wait_dma2 semaphore(%run_scoped3A : memref<!tpu.dma_semaphore, #tpu.memory_space<semaphore_mem>>) src(%dma_wait3A_19 : memref<2000xi32, #tpu.memory_space<hbm>>) dst(%arg5 : memref<2000xi32, #tpu.memory_space<vmem>>)
        tpu.yield
      }) : () -> ()
      %dma_start3A = arith.constant 0 : i32
      %dma_start3A_12 = arith.constant 0 : i32
      %dma_start3A_13 = tpu.memref_slice %arg2[%dma_start3A, %dma_start3A_12] : memref<100000x24xf32, #tpu.memory_space<hbm>> -> memref<100000x24xf32, #tpu.memory_space<hbm>>
      tpu.enqueue_indirect_dma source(%dma_start3A_13 : memref<100000x24xf32, #tpu.memory_space<hbm>>) target(%arg6 : memref<2000x24xf32, #tpu.memory_space<vmem>>) offsets(%arg5 : memref<2000xi32, #tpu.memory_space<vmem>>) semaphore(%arg7 : memref<!tpu.dma_semaphore, #tpu.memory_space<semaphore_mem>>)
      %dma_wait3A = arith.constant 0 : i32
      %dma_wait3A_14 = arith.constant 0 : i32
      %dma_wait3A_15 = tpu.memref_slice %arg2[%dma_wait3A, %dma_wait3A_14] : memref<100000x24xf32, #tpu.memory_space<hbm>> -> memref<100000x24xf32, #tpu.memory_space<hbm>>
      tpu.wait_indirect_dma semaphore(%arg7 : memref<!tpu.dma_semaphore, #tpu.memory_space<semaphore_mem>>) src(%dma_wait3A_15 : memref<100000x24xf32, #tpu.memory_space<hbm>>) dst(%arg6 : memref<2000x24xf32, #tpu.memory_space<vmem>>)
      "tpu.region"() ({
        %run_scoped3A = tpu.sem_alloc : memref<!tpu.dma_semaphore, #tpu.memory_space<semaphore_mem>>
        %dma_start3A_16 = arith.constant 0 : i32
        %dma_start3A_17 = tpu.memref_slice %arg4[%add3A_11, %dma_start3A_16] : memref<3200000x24xf32, #tpu.memory_space<hbm>> -> memref<2000x24xf32, #tpu.memory_space<hbm>>
        %dma_start3A_18 = arith.constant 0 : i32
        %dma_start3A_19 = tpu.memref_slice %arg4[%add3A_11, %dma_start3A_18] : memref<3200000x24xf32, #tpu.memory_space<hbm>> -> memref<2000x24xf32, #tpu.memory_space<hbm>>
        tpu.enqueue_dma source(%arg6 : memref<2000x24xf32, #tpu.memory_space<vmem>>) target(%dma_start3A_19 : memref<2000x24xf32, #tpu.memory_space<hbm>>) target_semaphore(%run_scoped3A : memref<!tpu.dma_semaphore, #tpu.memory_space<semaphore_mem>>)
        %dma_wait3A_20 = arith.constant 0 : i32
        %dma_wait3A_21 = tpu.memref_slice %arg4[%add3A_11, %dma_wait3A_20] : memref<3200000x24xf32, #tpu.memory_space<hbm>> -> memref<2000x24xf32, #tpu.memory_space<hbm>>
        %dma_wait3A_22 = arith.constant 0 : i32
        %dma_wait3A_23 = tpu.memref_slice %arg4[%add3A_11, %dma_wait3A_22] : memref<3200000x24xf32, #tpu.memory_space<hbm>> -> memref<2000x24xf32, #tpu.memory_space<hbm>>
        tpu.wait_dma2 semaphore(%run_scoped3A : memref<!tpu.dma_semaphore, #tpu.memory_space<semaphore_mem>>) src(%arg6 : memref<2000x24xf32, #tpu.memory_space<vmem>>) dst(%dma_wait3A_23 : memref<2000x24xf32, #tpu.memory_space<hbm>>)
        tpu.yield
      }) : () -> ()
    }
    %scan3A_7 = arith.constant 50 : i32
    return
  }
}

module attributes {stable_mosaic.version = 14 : i64} {
  func.func @_edge_body(%arg0: i32, %arg1: memref<4000x96xf32, #tpu.memory_space<vmem>>, %arg2: memref<4000x96xf32, #tpu.memory_space<vmem>>, %arg3: memref<96x128xbf16, #tpu.memory_space<vmem>>, %arg4: memref<96x128xbf16, #tpu.memory_space<vmem>>, %arg5: memref<96x128xbf16, #tpu.memory_space<vmem>>, %arg6: memref<1x128xf32, #tpu.memory_space<vmem>>, %arg7: memref<128x160xbf16, #tpu.memory_space<vmem>>, %arg8: memref<1x160xf32, #tpu.memory_space<vmem>>, %arg9: memref<160x128xbf16, #tpu.memory_space<vmem>>, %arg10: memref<1x128xf32, #tpu.memory_space<vmem>>, %arg11: memref<128x4xf32, #tpu.memory_space<vmem>>, %arg12: memref<1x4xf32, #tpu.memory_space<vmem>>, %arg13: memref<4x96xf32, #tpu.memory_space<vmem>>, %arg14: memref<96x160xbf16, #tpu.memory_space<vmem>>, %arg15: memref<1x160xf32, #tpu.memory_space<vmem>>, %arg16: memref<4000x160xf32, #tpu.memory_space<vmem>>) attributes {dimension_semantics = [#tpu.dimension_semantics<arbitrary>], iteration_bounds = array<i64: 200>, scalar_prefetch = 0 : i64, scratch_operands = 0 : i64, tpu.core_type = #tpu.core_type<tc>, window_params = [{transform_indices = @transform_0, window_bounds = array<i64: 4000, 96>}, {transform_indices = @transform_1, window_bounds = array<i64: 4000, 96>}, {pipeline_mode = #tpu.pipeline_mode<synchronous>, transform_indices = @transform_2, window_bounds = array<i64: 96, 128>}, {pipeline_mode = #tpu.pipeline_mode<synchronous>, transform_indices = @transform_3, window_bounds = array<i64: 96, 128>}, {pipeline_mode = #tpu.pipeline_mode<synchronous>, transform_indices = @transform_4, window_bounds = array<i64: 96, 128>}, {pipeline_mode = #tpu.pipeline_mode<synchronous>, transform_indices = @transform_5, window_bounds = array<i64: 1, 128>}, {pipeline_mode = #tpu.pipeline_mode<synchronous>, transform_indices = @transform_6, window_bounds = array<i64: 128, 160>}, {pipeline_mode = #tpu.pipeline_mode<synchronous>, transform_indices = @transform_7, window_bounds = array<i64: 1, 160>}, {pipeline_mode = #tpu.pipeline_mode<synchronous>, transform_indices = @transform_8, window_bounds = array<i64: 160, 128>}, {pipeline_mode = #tpu.pipeline_mode<synchronous>, transform_indices = @transform_9, window_bounds = array<i64: 1, 128>}, {pipeline_mode = #tpu.pipeline_mode<synchronous>, transform_indices = @transform_10, window_bounds = array<i64: 128, 4>}, {pipeline_mode = #tpu.pipeline_mode<synchronous>, transform_indices = @transform_11, window_bounds = array<i64: 1, 4>}, {pipeline_mode = #tpu.pipeline_mode<synchronous>, transform_indices = @transform_12, window_bounds = array<i64: 4, 96>}, {pipeline_mode = #tpu.pipeline_mode<synchronous>, transform_indices = @transform_13, window_bounds = array<i64: 96, 160>}, {pipeline_mode = #tpu.pipeline_mode<synchronous>, transform_indices = @transform_14, window_bounds = array<i64: 1, 160>}, {transform_indices = @transform_15, window_bounds = array<i64: 4000, 160>}]} {
    %get3A = arith.constant 0 : index
    %get3A_0 = arith.constant 0 : index
    %get3A_1 = vector.load %arg1[%get3A, %get3A_0] : memref<4000x96xf32, #tpu.memory_space<vmem>>, vector<4000x96xf32>
    %get3A_2 = arith.constant 0 : index
    %get3A_3 = arith.constant 0 : index
    %get3A_4 = vector.load %arg2[%get3A_2, %get3A_3] : memref<4000x96xf32, #tpu.memory_space<vmem>>, vector<4000x96xf32>
    %sub3A = arith.subf %get3A_1, %get3A_4 : vector<4000x96xf32>
    %mul3A = arith.mulf %sub3A, %sub3A : vector<4000x96xf32>
    %convert_element_type3A = arith.truncf %get3A_1 : vector<4000x96xf32> to vector<4000x96xbf16>
    %get3A_5 = arith.constant 0 : index
    %get3A_6 = arith.constant 0 : index
    %get3A_7 = vector.load %arg3[%get3A_5, %get3A_6] : memref<96x128xbf16, #tpu.memory_space<vmem>>, vector<96x128xbf16>
    %dot_general3A = arith.constant dense<0.000000e+00> : vector<4000x128xf32>
    %dot_general3A_8 = tpu.matmul %convert_element_type3A, %get3A_7, %dot_general3A {dimension_numbers = #tpu.dot_dimension_numbers<[1], [0], [0], [1], [0, 0, 1, 1], [], []>, transpose_lhs_hint = false} : vector<4000x96xbf16>, vector<96x128xbf16>, vector<4000x128xf32> -> vector<4000x128xf32>
    %convert_element_type3A_9 = arith.truncf %get3A_4 : vector<4000x96xf32> to vector<4000x96xbf16>
    %get3A_10 = arith.constant 0 : index
    %get3A_11 = arith.constant 0 : index
    %get3A_12 = vector.load %arg4[%get3A_10, %get3A_11] : memref<96x128xbf16, #tpu.memory_space<vmem>>, vector<96x128xbf16>
    %dot_general3A_13 = arith.constant dense<0.000000e+00> : vector<4000x128xf32>
    %dot_general3A_14 = tpu.matmul %convert_element_type3A_9, %get3A_12, %dot_general3A_13 {dimension_numbers = #tpu.dot_dimension_numbers<[1], [0], [0], [1], [0, 0, 1, 1], [], []>, transpose_lhs_hint = false} : vector<4000x96xbf16>, vector<96x128xbf16>, vector<4000x128xf32> -> vector<4000x128xf32>
    %add3A = arith.addf %dot_general3A_8, %dot_general3A_14 : vector<4000x128xf32>
    %convert_element_type3A_15 = arith.truncf %mul3A : vector<4000x96xf32> to vector<4000x96xbf16>
    %get3A_16 = arith.constant 0 : index
    %get3A_17 = arith.constant 0 : index
    %get3A_18 = vector.load %arg5[%get3A_16, %get3A_17] : memref<96x128xbf16, #tpu.memory_space<vmem>>, vector<96x128xbf16>
    %dot_general3A_19 = arith.constant dense<0.000000e+00> : vector<4000x128xf32>
    %dot_general3A_20 = tpu.matmul %convert_element_type3A_15, %get3A_18, %dot_general3A_19 {dimension_numbers = #tpu.dot_dimension_numbers<[1], [0], [0], [1], [0, 0, 1, 1], [], []>, transpose_lhs_hint = false} : vector<4000x96xbf16>, vector<96x128xbf16>, vector<4000x128xf32> -> vector<4000x128xf32>
    %add3A_21 = arith.addf %add3A, %dot_general3A_20 : vector<4000x128xf32>
    %get3A_22 = arith.constant 0 : index
    %get3A_23 = arith.constant 0 : index
    %get3A_24 = vector.load %arg6[%get3A_22, %get3A_23] : memref<1x128xf32, #tpu.memory_space<vmem>>, vector<1x128xf32>
    %add3A_25 = vector.broadcast %get3A_24 : vector<1x128xf32> to vector<4000x128xf32>
    %add3A_26 = arith.addf %add3A_21, %add3A_25 : vector<4000x128xf32>
    %logistic3A = arith.negf %add3A_26 : vector<4000x128xf32>
    %logistic3A_27 = math.exp %logistic3A : vector<4000x128xf32>
    %logistic3A_28 = arith.constant 1.000000e+00 : f32
    %logistic3A_29 = vector.broadcast %logistic3A_28 : f32 to vector<4000x128xf32>
    %logistic3A_30 = arith.addf %logistic3A_29, %logistic3A_27 : vector<4000x128xf32>
    %logistic3A_31 = arith.divf %logistic3A_29, %logistic3A_30 : vector<4000x128xf32>
    %mul3A_32 = arith.mulf %add3A_26, %logistic3A_31 : vector<4000x128xf32>
    %convert_element_type3A_33 = arith.truncf %mul3A_32 : vector<4000x128xf32> to vector<4000x128xbf16>
    %get3A_34 = arith.constant 0 : index
    %get3A_35 = arith.constant 0 : index
    %get3A_36 = vector.load %arg7[%get3A_34, %get3A_35] : memref<128x160xbf16, #tpu.memory_space<vmem>>, vector<128x160xbf16>
    %dot_general3A_37 = arith.constant dense<0.000000e+00> : vector<4000x160xf32>
    %dot_general3A_38 = tpu.matmul %convert_element_type3A_33, %get3A_36, %dot_general3A_37 {dimension_numbers = #tpu.dot_dimension_numbers<[1], [0], [0], [1], [0, 0, 1, 1], [], []>, transpose_lhs_hint = false} : vector<4000x128xbf16>, vector<128x160xbf16>, vector<4000x160xf32> -> vector<4000x160xf32>
    %get3A_39 = arith.constant 0 : index
    %get3A_40 = arith.constant 0 : index
    %get3A_41 = vector.load %arg8[%get3A_39, %get3A_40] : memref<1x160xf32, #tpu.memory_space<vmem>>, vector<1x160xf32>
    %add3A_42 = vector.broadcast %get3A_41 : vector<1x160xf32> to vector<4000x160xf32>
    %add3A_43 = arith.addf %dot_general3A_38, %add3A_42 : vector<4000x160xf32>
    %logistic3A_44 = arith.negf %add3A_43 : vector<4000x160xf32>
    %logistic3A_45 = math.exp %logistic3A_44 : vector<4000x160xf32>
    %logistic3A_46 = arith.constant 1.000000e+00 : f32
    %logistic3A_47 = vector.broadcast %logistic3A_46 : f32 to vector<4000x160xf32>
    %logistic3A_48 = arith.addf %logistic3A_47, %logistic3A_45 : vector<4000x160xf32>
    %logistic3A_49 = arith.divf %logistic3A_47, %logistic3A_48 : vector<4000x160xf32>
    %mul3A_50 = arith.mulf %add3A_43, %logistic3A_49 : vector<4000x160xf32>
    %convert_element_type3A_51 = arith.truncf %mul3A_50 : vector<4000x160xf32> to vector<4000x160xbf16>
    %get3A_52 = arith.constant 0 : index
    %get3A_53 = arith.constant 0 : index
    %get3A_54 = vector.load %arg9[%get3A_52, %get3A_53] : memref<160x128xbf16, #tpu.memory_space<vmem>>, vector<160x128xbf16>
    %dot_general3A_55 = arith.constant dense<0.000000e+00> : vector<4000x128xf32>
    %dot_general3A_56 = tpu.matmul %convert_element_type3A_51, %get3A_54, %dot_general3A_55 {dimension_numbers = #tpu.dot_dimension_numbers<[1], [0], [0], [1], [0, 0, 1, 1], [], []>, transpose_lhs_hint = false} : vector<4000x160xbf16>, vector<160x128xbf16>, vector<4000x128xf32> -> vector<4000x128xf32>
    %get3A_57 = arith.constant 0 : index
    %get3A_58 = arith.constant 0 : index
    %get3A_59 = vector.load %arg10[%get3A_57, %get3A_58] : memref<1x128xf32, #tpu.memory_space<vmem>>, vector<1x128xf32>
    %add3A_60 = vector.broadcast %get3A_59 : vector<1x128xf32> to vector<4000x128xf32>
    %add3A_61 = arith.addf %dot_general3A_56, %add3A_60 : vector<4000x128xf32>
    %logistic3A_62 = arith.negf %add3A_61 : vector<4000x128xf32>
    %logistic3A_63 = math.exp %logistic3A_62 : vector<4000x128xf32>
    %logistic3A_64 = arith.constant 1.000000e+00 : f32
    %logistic3A_65 = vector.broadcast %logistic3A_64 : f32 to vector<4000x128xf32>
    %logistic3A_66 = arith.addf %logistic3A_65, %logistic3A_63 : vector<4000x128xf32>
    %logistic3A_67 = arith.divf %logistic3A_65, %logistic3A_66 : vector<4000x128xf32>
    %mul3A_68 = arith.mulf %add3A_61, %logistic3A_67 : vector<4000x128xf32>
    %get3A_69 = arith.constant 0 : index
    %get3A_70 = arith.constant 0 : index
    %get3A_71 = vector.load %arg11[%get3A_69, %get3A_70] : memref<128x4xf32, #tpu.memory_space<vmem>>, vector<128x4xf32>
    %dot_general3A_72 = arith.constant dense<0.000000e+00> : vector<4000x4xf32>
    %dot_general3A_73 = tpu.matmul %mul3A_68, %get3A_71, %dot_general3A_72 {dimension_numbers = #tpu.dot_dimension_numbers<[1], [0], [0], [1], [0, 0, 1, 1], [], []>, transpose_lhs_hint = false} : vector<4000x128xf32>, vector<128x4xf32>, vector<4000x4xf32> -> vector<4000x4xf32>
    %get3A_74 = arith.constant 0 : index
    %get3A_75 = arith.constant 0 : index
    %get3A_76 = vector.load %arg12[%get3A_74, %get3A_75] : memref<1x4xf32, #tpu.memory_space<vmem>>, vector<1x4xf32>
    %add3A_77 = vector.broadcast %get3A_76 : vector<1x4xf32> to vector<4000x4xf32>
    %add3A_78 = arith.addf %dot_general3A_73, %add3A_77 : vector<4000x4xf32>
    %tanh3A = math.tanh %add3A_78 : vector<4000x4xf32>
    %get3A_79 = arith.constant 0 : index
    %get3A_80 = arith.constant 0 : index
    %get3A_81 = vector.load %arg13[%get3A_79, %get3A_80] : memref<4x96xf32, #tpu.memory_space<vmem>>, vector<4x96xf32>
    %dot_general3A_82 = arith.constant dense<0.000000e+00> : vector<4000x96xf32>
    %dot_general3A_83 = tpu.matmul %tanh3A, %get3A_81, %dot_general3A_82 {dimension_numbers = #tpu.dot_dimension_numbers<[1], [0], [0], [1], [0, 0, 1, 1], [], []>, transpose_lhs_hint = false} : vector<4000x4xf32>, vector<4x96xf32>, vector<4000x96xf32> -> vector<4000x96xf32>
    %mul3A_84 = arith.mulf %sub3A, %dot_general3A_83 : vector<4000x96xf32>
    %convert_element_type3A_85 = arith.truncf %mul3A_84 : vector<4000x96xf32> to vector<4000x96xbf16>
    %get3A_86 = arith.constant 0 : index
    %get3A_87 = arith.constant 0 : index
    %get3A_88 = vector.load %arg14[%get3A_86, %get3A_87] : memref<96x160xbf16, #tpu.memory_space<vmem>>, vector<96x160xbf16>
    %dot_general3A_89 = arith.constant dense<0.000000e+00> : vector<4000x160xf32>
    %dot_general3A_90 = tpu.matmul %convert_element_type3A_85, %get3A_88, %dot_general3A_89 {dimension_numbers = #tpu.dot_dimension_numbers<[1], [0], [0], [1], [0, 0, 1, 1], [], []>, transpose_lhs_hint = false} : vector<4000x96xbf16>, vector<96x160xbf16>, vector<4000x160xf32> -> vector<4000x160xf32>
    %add3A_91 = arith.addf %mul3A_50, %dot_general3A_90 : vector<4000x160xf32>
    %get3A_92 = arith.constant 0 : index
    %get3A_93 = arith.constant 0 : index
    %get3A_94 = vector.load %arg15[%get3A_92, %get3A_93] : memref<1x160xf32, #tpu.memory_space<vmem>>, vector<1x160xf32>
    %add3A_95 = vector.broadcast %get3A_94 : vector<1x160xf32> to vector<4000x160xf32>
    %add3A_96 = arith.addf %add3A_91, %add3A_95 : vector<4000x160xf32>
    %swap3A = arith.constant 0 : index
    %swap3A_97 = arith.constant 0 : index
    %swap3A_98 = vector.load %arg16[%swap3A, %swap3A_97] : memref<4000x160xf32, #tpu.memory_space<vmem>>, vector<4000x160xf32>
    tpu.vector_store %arg16[%swap3A, %swap3A_97], %add3A_96 {strides = array<i32>} : memref<4000x160xf32, #tpu.memory_space<vmem>>, vector<4000x160xf32>,
    return
  }
  func.func @transform_0(%arg0: i32) -> (i32, i32) {
    %c0_i32 = arith.constant 0 : i32
    %c0_i32_0 = arith.constant 0 : i32
    return %arg0, %c0_i32 : i32, i32
  }
  func.func @transform_1(%arg0: i32) -> (i32, i32) {
    %c0_i32 = arith.constant 0 : i32
    %c0_i32_0 = arith.constant 0 : i32
    return %arg0, %c0_i32 : i32, i32
  }
  func.func @transform_2(%arg0: i32) -> (i32, i32) {
    %c0_i32 = arith.constant 0 : i32
    %c0_i32_0 = arith.constant 0 : i32
    %c0_i32_1 = arith.constant 0 : i32
    return %c0_i32, %c0_i32_0 : i32, i32
  }
  func.func @transform_3(%arg0: i32) -> (i32, i32) {
    %c0_i32 = arith.constant 0 : i32
    %c0_i32_0 = arith.constant 0 : i32
    %c0_i32_1 = arith.constant 0 : i32
    return %c0_i32, %c0_i32_0 : i32, i32
  }
  func.func @transform_4(%arg0: i32) -> (i32, i32) {
    %c0_i32 = arith.constant 0 : i32
    %c0_i32_0 = arith.constant 0 : i32
    %c0_i32_1 = arith.constant 0 : i32
    return %c0_i32, %c0_i32_0 : i32, i32
  }
  func.func @transform_5(%arg0: i32) -> (i32, i32) {
    %c0_i32 = arith.constant 0 : i32
    %c0_i32_0 = arith.constant 0 : i32
    %c0_i32_1 = arith.constant 0 : i32
    return %c0_i32, %c0_i32_0 : i32, i32
  }
  func.func @transform_6(%arg0: i32) -> (i32, i32) {
    %c0_i32 = arith.constant 0 : i32
    %c0_i32_0 = arith.constant 0 : i32
    %c0_i32_1 = arith.constant 0 : i32
    return %c0_i32, %c0_i32_0 : i32, i32
  }
  func.func @transform_7(%arg0: i32) -> (i32, i32) {
    %c0_i32 = arith.constant 0 : i32
    %c0_i32_0 = arith.constant 0 : i32
    %c0_i32_1 = arith.constant 0 : i32
    return %c0_i32, %c0_i32_0 : i32, i32
  }
  func.func @transform_8(%arg0: i32) -> (i32, i32) {
    %c0_i32 = arith.constant 0 : i32
    %c0_i32_0 = arith.constant 0 : i32
    %c0_i32_1 = arith.constant 0 : i32
    return %c0_i32, %c0_i32_0 : i32, i32
  }
  func.func @transform_9(%arg0: i32) -> (i32, i32) {
    %c0_i32 = arith.constant 0 : i32
    %c0_i32_0 = arith.constant 0 : i32
    %c0_i32_1 = arith.constant 0 : i32
    return %c0_i32, %c0_i32_0 : i32, i32
  }
  func.func @transform_10(%arg0: i32) -> (i32, i32) {
    %c0_i32 = arith.constant 0 : i32
    %c0_i32_0 = arith.constant 0 : i32
    %c0_i32_1 = arith.constant 0 : i32
    return %c0_i32, %c0_i32_0 : i32, i32
  }
  func.func @transform_11(%arg0: i32) -> (i32, i32) {
    %c0_i32 = arith.constant 0 : i32
    %c0_i32_0 = arith.constant 0 : i32
    %c0_i32_1 = arith.constant 0 : i32
    return %c0_i32, %c0_i32_0 : i32, i32
  }
  func.func @transform_12(%arg0: i32) -> (i32, i32) {
    %c0_i32 = arith.constant 0 : i32
    %c0_i32_0 = arith.constant 0 : i32
    %c0_i32_1 = arith.constant 0 : i32
    return %c0_i32, %c0_i32_0 : i32, i32
  }
  func.func @transform_13(%arg0: i32) -> (i32, i32) {
    %c0_i32 = arith.constant 0 : i32
    %c0_i32_0 = arith.constant 0 : i32
    %c0_i32_1 = arith.constant 0 : i32
    return %c0_i32, %c0_i32_0 : i32, i32
  }
  func.func @transform_14(%arg0: i32) -> (i32, i32) {
    %c0_i32 = arith.constant 0 : i32
    %c0_i32_0 = arith.constant 0 : i32
    %c0_i32_1 = arith.constant 0 : i32
    return %c0_i32, %c0_i32_0 : i32, i32
  }
  func.func @transform_15(%arg0: i32) -> (i32, i32) {
    %c0_i32 = arith.constant 0 : i32
    %c0_i32_0 = arith.constant 0 : i32
    return %arg0, %c0_i32 : i32, i32
  }
}

module attributes {stable_mosaic.version = 14 : i64} {
  func.func @_node_body(%arg0: i32, %arg1: memref<2000x3xf32, #tpu.memory_space<vmem>>, %arg2: memref<2000x16xf32, #tpu.memory_space<vmem>>, %arg3: memref<2000x40xf32, #tpu.memory_space<vmem>>, %arg4: memref<16x32xf32, #tpu.memory_space<vmem>>, %arg5: memref<32x32xf32, #tpu.memory_space<vmem>>, %arg6: memref<1x32xf32, #tpu.memory_space<vmem>>, %arg7: memref<32x16xf32, #tpu.memory_space<vmem>>, %arg8: memref<1x16xf32, #tpu.memory_space<vmem>>, %arg9: memref<2000x3xf32, #tpu.memory_space<vmem>>, %arg10: memref<2000x16xf32, #tpu.memory_space<vmem>>, %arg11: memref<1x16xf32, #tpu.memory_space<vmem>>, %arg12: memref<1x1xf32, #tpu.memory_space<vmem>>) attributes {dimension_semantics = [#tpu.dimension_semantics<arbitrary>], iteration_bounds = array<i64: 50>, scalar_prefetch = 0 : i64, scratch_operands = 0 : i64, tpu.core_type = #tpu.core_type<tc>, window_params = [{transform_indices = @transform_0, window_bounds = array<i64: 2000, 3>}, {transform_indices = @transform_1, window_bounds = array<i64: 2000, 16>}, {transform_indices = @transform_2, window_bounds = array<i64: 2000, 40>}, {pipeline_mode = #tpu.pipeline_mode<synchronous>, transform_indices = @transform_3, window_bounds = array<i64: 16, 32>}, {pipeline_mode = #tpu.pipeline_mode<synchronous>, transform_indices = @transform_4, window_bounds = array<i64: 32, 32>}, {pipeline_mode = #tpu.pipeline_mode<synchronous>, transform_indices = @transform_5, window_bounds = array<i64: 1, 32>}, {pipeline_mode = #tpu.pipeline_mode<synchronous>, transform_indices = @transform_6, window_bounds = array<i64: 32, 16>}, {pipeline_mode = #tpu.pipeline_mode<synchronous>, transform_indices = @transform_7, window_bounds = array<i64: 1, 16>}, {transform_indices = @transform_8, window_bounds = array<i64: 2000, 3>}, {transform_indices = @transform_9, window_bounds = array<i64: 2000, 16>}, {pipeline_mode = #tpu.pipeline_mode<synchronous>, transform_indices = @transform_10, window_bounds = array<i64: 1, 16>}, {pipeline_mode = #tpu.pipeline_mode<synchronous>, transform_indices = @transform_11, window_bounds = array<i64: 1, 1>}]} {
    %get3A = arith.constant 0 : index
    %get3A_0 = arith.constant 0 : index
    %get3A_1 = vector.load %arg2[%get3A, %get3A_0] : memref<2000x16xf32, #tpu.memory_space<vmem>>, vector<2000x16xf32>
    %get3A_2 = arith.constant 0 : index
    %get3A_3 = arith.constant 0 : index
    %get3A_4 = vector.load %arg3[%get3A_2, %get3A_3] : memref<2000x40xf32, #tpu.memory_space<vmem>>, vector<2000x40xf32>
    %slice3A = vector.extract_strided_slice %get3A_4 {offsets = [0, 35], sizes = [2000, 1], strides = [1, 1]} : vector<2000x40xf32> to vector<2000x1xf32>
    %max3A = arith.constant 1.000000e+00 : f32
    %max3A_5 = vector.broadcast %max3A : f32 to vector<2000x1xf32>
    %max3A_6 = arith.maximumf %slice3A, %max3A_5 : vector<2000x1xf32>
    %get3A_7 = arith.constant 0 : index
    %get3A_8 = arith.constant 0 : index
    %get3A_9 = vector.load %arg1[%get3A_7, %get3A_8] : memref<2000x3xf32, #tpu.memory_space<vmem>>, vector<2000x3xf32>
    %slice3A_10 = vector.extract_strided_slice %get3A_4 {offsets = [0, 32], sizes = [2000, 3], strides = [1, 1]} : vector<2000x40xf32> to vector<2000x3xf32>
    %div3A = vector.broadcast %max3A_6 : vector<2000x1xf32> to vector<2000x3xf32>
    %div3A_11 = arith.divf %slice3A_10, %div3A : vector<2000x3xf32>
    %add3A = arith.addf %get3A_9, %div3A_11 : vector<2000x3xf32>
    %swap3A = arith.constant 0 : index
    %swap3A_12 = arith.constant 0 : index
    %swap3A_13 = vector.load %arg9[%swap3A, %swap3A_12] : memref<2000x3xf32, #tpu.memory_space<vmem>>, vector<2000x3xf32>
    tpu.vector_store %arg9[%swap3A, %swap3A_12], %add3A {strides = array<i32>} : memref<2000x3xf32, #tpu.memory_space<vmem>>, vector<2000x3xf32>,
    %get3A_14 = arith.constant 0 : index
    %get3A_15 = arith.constant 0 : index
    %get3A_16 = vector.load %arg4[%get3A_14, %get3A_15] : memref<16x32xf32, #tpu.memory_space<vmem>>, vector<16x32xf32>
    %dot_general3A = arith.constant dense<0.000000e+00> : vector<2000x32xf32>
    %dot_general3A_17 = tpu.matmul %get3A_1, %get3A_16, %dot_general3A {dimension_numbers = #tpu.dot_dimension_numbers<[1], [0], [0], [1], [0, 0, 1, 1], [], []>, transpose_lhs_hint = false} : vector<2000x16xf32>, vector<16x32xf32>, vector<2000x32xf32> -> vector<2000x32xf32>
    %slice3A_18 = vector.extract_strided_slice %get3A_4 {offsets = [0, 0], sizes = [2000, 32], strides = [1, 1]} : vector<2000x40xf32> to vector<2000x32xf32>
    %get3A_19 = arith.constant 0 : index
    %get3A_20 = arith.constant 0 : index
    %get3A_21 = vector.load %arg5[%get3A_19, %get3A_20] : memref<32x32xf32, #tpu.memory_space<vmem>>, vector<32x32xf32>
    %dot_general3A_22 = arith.constant dense<0.000000e+00> : vector<2000x32xf32>
    %dot_general3A_23 = tpu.matmul %slice3A_18, %get3A_21, %dot_general3A_22 {dimension_numbers = #tpu.dot_dimension_numbers<[1], [0], [0], [1], [0, 0, 1, 1], [], []>, transpose_lhs_hint = false} : vector<2000x32xf32>, vector<32x32xf32>, vector<2000x32xf32> -> vector<2000x32xf32>
    %add3A_24 = arith.addf %dot_general3A_17, %dot_general3A_23 : vector<2000x32xf32>
    %get3A_25 = arith.constant 0 : index
    %get3A_26 = arith.constant 0 : index
    %get3A_27 = vector.load %arg6[%get3A_25, %get3A_26] : memref<1x32xf32, #tpu.memory_space<vmem>>, vector<1x32xf32>
    %add3A_28 = vector.broadcast %get3A_27 : vector<1x32xf32> to vector<2000x32xf32>
    %add3A_29 = arith.addf %add3A_24, %add3A_28 : vector<2000x32xf32>
    %logistic3A = arith.negf %add3A_29 : vector<2000x32xf32>
    %logistic3A_30 = math.exp %logistic3A : vector<2000x32xf32>
    %logistic3A_31 = arith.constant 1.000000e+00 : f32
    %logistic3A_32 = vector.broadcast %logistic3A_31 : f32 to vector<2000x32xf32>
    %logistic3A_33 = arith.addf %logistic3A_32, %logistic3A_30 : vector<2000x32xf32>
    %logistic3A_34 = arith.divf %logistic3A_32, %logistic3A_33 : vector<2000x32xf32>
    %mul3A = arith.mulf %add3A_29, %logistic3A_34 : vector<2000x32xf32>
    %get3A_35 = arith.constant 0 : index
    %get3A_36 = arith.constant 0 : index
    %get3A_37 = vector.load %arg7[%get3A_35, %get3A_36] : memref<32x16xf32, #tpu.memory_space<vmem>>, vector<32x16xf32>
    %dot_general3A_38 = arith.constant dense<0.000000e+00> : vector<2000x16xf32>
    %dot_general3A_39 = tpu.matmul %mul3A, %get3A_37, %dot_general3A_38 {dimension_numbers = #tpu.dot_dimension_numbers<[1], [0], [0], [1], [0, 0, 1, 1], [], []>, transpose_lhs_hint = false} : vector<2000x32xf32>, vector<32x16xf32>, vector<2000x16xf32> -> vector<2000x16xf32>
    %add3A_40 = arith.addf %get3A_1, %dot_general3A_39 : vector<2000x16xf32>
    %get3A_41 = arith.constant 0 : index
    %get3A_42 = arith.constant 0 : index
    %get3A_43 = vector.load %arg8[%get3A_41, %get3A_42] : memref<1x16xf32, #tpu.memory_space<vmem>>, vector<1x16xf32>
    %add3A_44 = vector.broadcast %get3A_43 : vector<1x16xf32> to vector<2000x16xf32>
    %add3A_45 = arith.addf %add3A_40, %add3A_44 : vector<2000x16xf32>
    %swap3A_46 = arith.constant 0 : index
    %swap3A_47 = arith.constant 0 : index
    %swap3A_48 = vector.load %arg10[%swap3A_46, %swap3A_47] : memref<2000x16xf32, #tpu.memory_space<vmem>>, vector<2000x16xf32>
    tpu.vector_store %arg10[%swap3A_46, %swap3A_47], %add3A_45 {strides = array<i32>} : memref<2000x16xf32, #tpu.memory_space<vmem>>, vector<2000x16xf32>,
    %reduce_sum3A = arith.constant dense<0.000000e+00> : vector<16xf32>
    %reduce_sum3A_49 = vector.multi_reduction <add>, %add3A_45, %reduce_sum3A [0] : vector<2000x16xf32> to vector<16xf32>
    %broadcast_in_dim3A = vector.shape_cast %reduce_sum3A_49 : vector<16xf32> to vector<1x16xf32>
    %mul3A_50 = arith.mulf %add3A_45, %add3A_45 : vector<2000x16xf32>
    %reduce_sum3A_51 = vector.shape_cast %mul3A_50 : vector<2000x16xf32> to vector<1x2000x16xf32>
    %reduce_sum3A_52 = arith.constant dense<0.000000e+00> : vector<1xf32>
    %reduce_sum3A_53 = vector.multi_reduction <add>, %reduce_sum3A_51, %reduce_sum3A_52 [1, 2] : vector<1x2000x16xf32> to vector<1xf32>
    %reduce_sum3A_54 = vector.shape_cast %reduce_sum3A_53 : vector<1xf32> to vector<1x1x1xf32>
    %reduce_sum3A_55 = vector.extract %reduce_sum3A_54[0, 0, 0] : f32 from vector<1x1x1xf32>
    %reshape3A = vector.broadcast %reduce_sum3A_55 : f32 to vector<1x1xf32>
    %eq3A = arith.constant 0 : i32
    %eq3A_56 = arith.cmpi eq, %arg0, %eq3A : i32
    %convert_element_type3A = arith.extui %eq3A_56 : i1 to i32
    %cond3A = arith.constant 0 : i32
    %cond3A_57 = arith.cmpi ne, %convert_element_type3A, %cond3A : i32
    scf.if %cond3A_57 {
      %swap3A_62 = arith.constant 0 : index
      %swap3A_63 = arith.constant 0 : index
      %swap3A_64 = vector.load %arg11[%swap3A_62, %swap3A_63] : memref<1x16xf32, #tpu.memory_space<vmem>>, vector<1x16xf32>
      tpu.vector_store %arg11[%swap3A_62, %swap3A_63], %broadcast_in_dim3A {strides = array<i32>} : memref<1x16xf32, #tpu.memory_space<vmem>>, vector<1x16xf32>,
      %swap3A_65 = arith.constant 0 : index
      %swap3A_66 = arith.constant 0 : index
      %swap3A_67 = vector.load %arg12[%swap3A_65, %swap3A_66] : memref<1x1xf32, #tpu.memory_space<vmem>>, vector<1x1xf32>
      tpu.vector_store %arg12[%swap3A_65, %swap3A_66], %reshape3A {strides = array<i32>} : memref<1x1xf32, #tpu.memory_space<vmem>>, vector<1x1xf32>,
    } else {
    }
    %gt3A = arith.constant 0 : i32
    %gt3A_58 = arith.cmpi sgt, %arg0, %gt3A : i32
    %convert_element_type3A_59 = arith.extui %gt3A_58 : i1 to i32
    %cond3A_60 = arith.constant 0 : i32
    %cond3A_61 = arith.cmpi ne, %convert_element_type3A_59, %cond3A_60 : i32
    scf.if %cond3A_61 {
      %get3A_62 = arith.constant 0 : index
      %get3A_63 = arith.constant 0 : index
      %get3A_64 = vector.load %arg11[%get3A_62, %get3A_63] : memref<1x16xf32, #tpu.memory_space<vmem>>, vector<1x16xf32>
      %add3A_65 = arith.addf %get3A_64, %broadcast_in_dim3A : vector<1x16xf32>
      %swap3A_66 = arith.constant 0 : index
      %swap3A_67 = arith.constant 0 : index
      %swap3A_68 = vector.load %arg11[%swap3A_66, %swap3A_67] : memref<1x16xf32, #tpu.memory_space<vmem>>, vector<1x16xf32>
      tpu.vector_store %arg11[%swap3A_66, %swap3A_67], %add3A_65 {strides = array<i32>} : memref<1x16xf32, #tpu.memory_space<vmem>>, vector<1x16xf32>,
      %get3A_69 = arith.constant 0 : index
      %get3A_70 = arith.constant 0 : index
      %get3A_71 = vector.load %arg12[%get3A_69, %get3A_70] : memref<1x1xf32, #tpu.memory_space<vmem>>, vector<1x1xf32>
      %add3A_72 = arith.addf %get3A_71, %reshape3A : vector<1x1xf32>
      %swap3A_73 = arith.constant 0 : index
      %swap3A_74 = arith.constant 0 : index
      %swap3A_75 = vector.load %arg12[%swap3A_73, %swap3A_74] : memref<1x1xf32, #tpu.memory_space<vmem>>, vector<1x1xf32>
      tpu.vector_store %arg12[%swap3A_73, %swap3A_74], %add3A_72 {strides = array<i32>} : memref<1x1xf32, #tpu.memory_space<vmem>>, vector<1x1xf32>,
    } else {
    }
    return
  }
  func.func @transform_0(%arg0: i32) -> (i32, i32) {
    %c0_i32 = arith.constant 0 : i32
    %c0_i32_0 = arith.constant 0 : i32
    return %arg0, %c0_i32 : i32, i32
  }
  func.func @transform_1(%arg0: i32) -> (i32, i32) {
    %c0_i32 = arith.constant 0 : i32
    %c0_i32_0 = arith.constant 0 : i32
    return %arg0, %c0_i32 : i32, i32
  }
  func.func @transform_2(%arg0: i32) -> (i32, i32) {
    %c0_i32 = arith.constant 0 : i32
    %c0_i32_0 = arith.constant 0 : i32
    return %arg0, %c0_i32 : i32, i32
  }
  func.func @transform_3(%arg0: i32) -> (i32, i32) {
    %c0_i32 = arith.constant 0 : i32
    %c0_i32_0 = arith.constant 0 : i32
    %c0_i32_1 = arith.constant 0 : i32
    return %c0_i32, %c0_i32_0 : i32, i32
  }
  func.func @transform_4(%arg0: i32) -> (i32, i32) {
    %c0_i32 = arith.constant 0 : i32
    %c0_i32_0 = arith.constant 0 : i32
    %c0_i32_1 = arith.constant 0 : i32
    return %c0_i32, %c0_i32_0 : i32, i32
  }
  func.func @transform_5(%arg0: i32) -> (i32, i32) {
    %c0_i32 = arith.constant 0 : i32
    %c0_i32_0 = arith.constant 0 : i32
    %c0_i32_1 = arith.constant 0 : i32
    return %c0_i32, %c0_i32_0 : i32, i32
  }
  func.func @transform_6(%arg0: i32) -> (i32, i32) {
    %c0_i32 = arith.constant 0 : i32
    %c0_i32_0 = arith.constant 0 : i32
    %c0_i32_1 = arith.constant 0 : i32
    return %c0_i32, %c0_i32_0 : i32, i32
  }
  func.func @transform_7(%arg0: i32) -> (i32, i32) {
    %c0_i32 = arith.constant 0 : i32
    %c0_i32_0 = arith.constant 0 : i32
    %c0_i32_1 = arith.constant 0 : i32
    return %c0_i32, %c0_i32_0 : i32, i32
  }
  func.func @transform_8(%arg0: i32) -> (i32, i32) {
    %c0_i32 = arith.constant 0 : i32
    %c0_i32_0 = arith.constant 0 : i32
    return %arg0, %c0_i32 : i32, i32
  }
  func.func @transform_9(%arg0: i32) -> (i32, i32) {
    %c0_i32 = arith.constant 0 : i32
    %c0_i32_0 = arith.constant 0 : i32
    return %arg0, %c0_i32 : i32, i32
  }
  func.func @transform_10(%arg0: i32) -> (i32, i32) {
    %c0_i32 = arith.constant 0 : i32
    %c0_i32_0 = arith.constant 0 : i32
    %c0_i32_1 = arith.constant 0 : i32
    return %c0_i32, %c0_i32_0 : i32, i32
  }
  func.func @transform_11(%arg0: i32) -> (i32, i32) {
    %c0_i32 = arith.constant 0 : i32
    %c0_i32_0 = arith.constant 0 : i32
    %c0_i32_1 = arith.constant 0 : i32
    return %c0_i32, %c0_i32_0 : i32, i32
  }
}

module attributes {stable_mosaic.version = 14 : i64} {
  func.func @_norm_body(%arg0: i32, %arg1: memref<5000x16xf32, #tpu.memory_space<vmem>>, %arg2: memref<1x16xf32, #tpu.memory_space<vmem>>, %arg3: memref<1x1xf32, #tpu.memory_space<vmem>>, %arg4: memref<5000x16xf32, #tpu.memory_space<vmem>>) attributes {dimension_semantics = [#tpu.dimension_semantics<arbitrary>], iteration_bounds = array<i64: 20>, scalar_prefetch = 0 : i64, scratch_operands = 0 : i64, tpu.core_type = #tpu.core_type<tc>, window_params = [{transform_indices = @transform_0, window_bounds = array<i64: 5000, 16>}, {pipeline_mode = #tpu.pipeline_mode<synchronous>, transform_indices = @transform_1, window_bounds = array<i64: 1, 16>}, {pipeline_mode = #tpu.pipeline_mode<synchronous>, transform_indices = @transform_2, window_bounds = array<i64: 1, 1>}, {transform_indices = @transform_3, window_bounds = array<i64: 5000, 16>}]} {
    %get3A = arith.constant 0 : index
    %get3A_0 = arith.constant 0 : index
    %get3A_1 = vector.load %arg1[%get3A, %get3A_0] : memref<5000x16xf32, #tpu.memory_space<vmem>>, vector<5000x16xf32>
    %get3A_2 = arith.constant 0 : index
    %get3A_3 = arith.constant 0 : index
    %get3A_4 = vector.load %arg2[%get3A_2, %get3A_3] : memref<1x16xf32, #tpu.memory_space<vmem>>, vector<1x16xf32>
    %sub3A = vector.broadcast %get3A_4 : vector<1x16xf32> to vector<5000x16xf32>
    %sub3A_5 = arith.subf %get3A_1, %sub3A : vector<5000x16xf32>
    %get3A_6 = arith.constant 0 : index
    %get3A_7 = arith.constant 0 : index
    %get3A_8 = vector.load %arg3[%get3A_6, %get3A_7] : memref<1x1xf32, #tpu.memory_space<vmem>>, vector<1x1xf32>
    %get3A_9 = vector.extract %get3A_8[0, 0] : f32 from vector<1x1xf32>
    %mul3A = vector.broadcast %get3A_9 : f32 to vector<5000x16xf32>
    %mul3A_10 = arith.mulf %sub3A_5, %mul3A : vector<5000x16xf32>
    %swap3A = arith.constant 0 : index
    %swap3A_11 = arith.constant 0 : index
    %swap3A_12 = vector.load %arg4[%swap3A, %swap3A_11] : memref<5000x16xf32, #tpu.memory_space<vmem>>, vector<5000x16xf32>
    tpu.vector_store %arg4[%swap3A, %swap3A_11], %mul3A_10 {strides = array<i32>} : memref<5000x16xf32, #tpu.memory_space<vmem>>, vector<5000x16xf32>,
    return
  }
  func.func @transform_0(%arg0: i32) -> (i32, i32) {
    %c0_i32 = arith.constant 0 : i32
    %c0_i32_0 = arith.constant 0 : i32
    return %arg0, %c0_i32 : i32, i32
  }
  func.func @transform_1(%arg0: i32) -> (i32, i32) {
    %c0_i32 = arith.constant 0 : i32
    %c0_i32_0 = arith.constant 0 : i32
    %c0_i32_1 = arith.constant 0 : i32
    return %c0_i32, %c0_i32_0 : i32, i32
  }
  func.func @transform_2(%arg0: i32) -> (i32, i32) {
    %c0_i32 = arith.constant 0 : i32
    %c0_i32_0 = arith.constant 0 : i32
    %c0_i32_1 = arith.constant 0 : i32
    return %c0_i32, %c0_i32_0 : i32, i32
  }
  func.func @transform_3(%arg0: i32) -> (i32, i32) {
    %c0_i32 = arith.constant 0 : i32
    %c0_i32_0 = arith.constant 0 : i32
    return %arg0, %c0_i32 : i32, i32
  }
}

</mosaic_0001>

<sc_bundles>
// kernel: kernel.11.cloned.1.call-start
scs
__scs_entry_jumppad:
0x0: {  	(pc) =	sbr.rel $0x88, $3  }
0x1: {  	(tag) =	ssettag $0x0;
	lr =	simm.s32 $0x1  }
0x2: {  	[smem:$0x3F92] =	sst lr;
	_ =	strace $0xD0000000  }
0x3: {  	_ = 	snop  }
0x4: {  	_ = 	snop  }
0x5: {  	_ = 	snop  }
0x6: {  	_ = 	snop  }
0x7: {  	_ = 	snop  }
__scs_overlays_trampoline_lowered:
0x8: {  	[smem:$0x3FA1] =	sst s0  }
0x9: {  	[smem:$0x3FA2] =	sst s1  }
0xa: {  	[smem:$0x3FA3] =	sst s2  }
0xb: {  	[smem:$0x3FA4] =	sst s3  }
0xc: {  	[smem:$0x3FA5] =	sst s4  }
0xd: {  	[smem:$0x3FA6] =	sst s5  }
0xe: {  	[smem:$0x3FA7] =	sst s6  }
0xf: {  	[smem:$0x3FA8] =	sst s7  }
0x10: {  	[smem:$0x3FA9] =	sst s8  }
0x11: {  	[smem:$0x3FAA] =	sst s9;
	s0 =	simm.s32 @!p0 $0x0  }
0x12: {  	s1 =	sld [smem:$0x3F90];
	s0 =	simm.s32 @p0 $0x1  }
0x13: {  	[smem:$0x3FAB] =	sst s0;
	s0 =	simm.s32 @!p1 $0x0  }
0x14: {  	s2 =	sld [smem:$0x3F8F];
	s0 =	simm.s32 @p1 $0x1  }
0x15: {  	[smem:$0x3FAC] =	sst s0;
	s0 =	simm.s32 @!p2 $0x0  }
0x16: {  	s3 =	sld [smem:$0x3FDB];
	s0 =	simm.s32 @p2 $0x1  }
0x17: {  	s4 =	simm.s32 $0x1BF5;
	[smem:$0x3FAE] =	sst s0  }
0x18: {  	s0 =	sld [smem:$0x3F91];
	_ =	swait.ge [sflag:s4], $0x0  }
0x19: {  	s7 =	sld [smem:$0x3F92]  }
0x1a: {  	s8 =	sadd.s32 $0xFFFFE003, lr  }
0x1b: {  	s9 =	sadd.s32 $0xFFFFFEF7, lr;
	s5 =	simm.s32 $0xFFFFFFFF;
	p2 =	slt.u32 s8, $0xFFFFF086  }
0x1c: {  	p1 =	slt.u32 s9, $0xF7A;
	s5 =	simm.s32 @!p2 $0x0  }
0x1d: {  	s5 =	simm.s32 @p1 $0x1;
	p0 =	seq.s32 s7, s2  }
0x1e: {  	s7 =	smul.u32 @!p0 $0xF7A, s2;
	p2 =	seq.s32 @!p0 s5, $0x0  }
0x1f: {  	s9 =	smul.u32 $0xF7A, s1;
	s8 =	simm.s32 @!p0 $0x1BF5;
	p2 =	por !p2, p0  }
0x20: {  	[sflag:s8] =	ssyncset.s32 @!p0 $0xFFFFF086;
	s6 =	sadd.s32 @!p0 s3, s7;
	s7 =	simm.s32 @!p0 $0x108  }
0x21: {  	s3 =	sadd.s32 s3, s9;
	s6 =	sadd.s32 @!p0 $0x88, s6;
	s7 =	simm.s32 @p2 $0x1082  }
0x22: {  	[simem:s7], [sflag:s8] =	dma.local @!p0 [hbm:s6], $0xF7A  }
0x23: {  	s9 =	sor.u32 $0xD0000000, s2;
	s6 =	simm.s32 $0x108;
	_ =	swait.ge @!p0 [sflag:s8], $0x0  }
0x24: {  	s3 =	sadd.s32 $0x88, s3;
	s6 =	simm.s32 @!p1 $0x1082;
	[sflag:s4] =	ssyncset.s32 $0xFFFFF086  }
0x25: {  	[simem:s6], [sflag:s4] =	dma.local [hbm:s3], $0xF7A  }
0x26: {  	[smem:$0x3F92] =	sst s1;
	(tag) =	ssettag s2;
	_ =	strace s9  }
0x27: {  	s1 =	sld [smem:$0x3FA2]  }
0x28: {  	s2 =	sld [smem:$0x3FA3]  }
0x29: {  	s4 =	sld [smem:$0x3FA5]  }
0x2a: {  	p0 =	seq.s32 s5, $0x0;
	s5 =	sld [smem:$0x3FA6]  }
0x2b: {  	s6 =	sld [smem:$0x3FA7]  }
0x2c: {  	s7 =	sld [smem:$0x3FA8]  }
0x2d: {  	s3 =	simm.s32 $0x108;
	s8 =	sld [smem:$0x3FA9]  }
0x2e: {  	s3 =	simm.s32 @!p0 $0x1082;
	s9 =	sld [smem:$0x3FAA]  }
0x2f: {  	lr =	sadd.s32 s0, s3;
	s0 =	sld [smem:$0x3FA1]  }
0x30: {  	s3 =	sld [smem:$0x3FA4]  }
0x31: {  	[smem:$0x3FAD] =	sst s10  }
0x32: {  	s10 =	sld [smem:$0x3FAB];
	_ =	sdelay $0x3  }
0x33: {  	p0 =	seq.s32 s10, $0x1;
	s10 =	sld [smem:$0x3FAD];
	_ =	sdelay $0x3  }
0x34: {  	[smem:$0x3FAD] =	sst s10  }
0x35: {  	s10 =	sld [smem:$0x3FAC];
	_ =	sdelay $0x3  }
0x36: {  	p1 =	seq.s32 s10, $0x1;
	s10 =	sld [smem:$0x3FAD];
	_ =	sdelay $0x3  }
0x37: {  	[smem:$0x3FAD] =	sst s10  }
0x38: {  	s10 =	sld [smem:$0x3FAE]  }
0x39: {  	_ = 	snop;
	(pc) =	sbr.ind lr, $3  }
0x3a: {  	_ = 	snop  }
0x3b: {  	_ = 	snop  }
0x3c: {  	p2 =	seq.s32 s10, $0x1;
	s10 =	sld [smem:$0x3FAD]  }
0x3d: {  	_ =	shalt  }
0x3e: {  	_ =	shalt  }
0x3f: {  	_ =	shalt  }
0x40: {  	_ =	shalt  }
0x41: {  	_ =	shalt  }
0x42: {  	_ =	shalt  }
0x43: {  	_ =	shalt  }
0x44: {  	_ =	shalt  }
0x45: {  	_ =	shalt  }
0x46: {  	_ =	shalt  }
0x47: {  	_ =	shalt  }
0x48: {  	_ =	shalt  }
0x49: {  	_ =	shalt  }
0x4a: {  	_ =	shalt  }
0x4b: {  	_ =	shalt  }
0x4c: {  	_ =	shalt  }
0x4d: {  	_ =	shalt  }
0x4e: {  	_ =	shalt  }
0x4f: {  	_ =	shalt  }
0x50: {  	_ =	shalt  }
0x51: {  	_ =	shalt  }
0x52: {  	_ =	shalt  }
0x53: {  	_ =	shalt  }
0x54: {  	_ =	shalt  }
0x55: {  	_ =	shalt  }
0x56: {  	_ =	shalt  }
0x57: {  	_ =	shalt  }
0x58: {  	_ =	shalt  }
0x59: {  	_ =	shalt  }
0x5a: {  	_ =	shalt  }
0x5b: {  	_ =	shalt  }
0x5c: {  	_ =	shalt  }
0x5d: {  	_ =	shalt  }
0x5e: {  	_ =	shalt  }
0x5f: {  	_ =	shalt  }
0x60: {  	_ =	shalt  }
0x61: {  	_ =	shalt  }
0x62: {  	_ =	shalt  }
0x63: {  	_ =	shalt  }
0x64: {  	_ =	shalt  }
0x65: {  	_ =	shalt  }
0x66: {  	_ =	shalt  }
0x67: {  	_ =	shalt  }
0x68: {  	_ =	shalt  }
0x69: {  	_ =	shalt  }
0x6a: {  	_ =	shalt  }
0x6b: {  	_ =	shalt  }
0x6c: {  	_ =	shalt  }
0x6d: {  	_ =	shalt  }
0x6e: {  	_ =	shalt  }
0x6f: {  	_ =	shalt  }
0x70: {  	_ =	shalt  }
0x71: {  	_ =	shalt  }
0x72: {  	_ =	shalt  }
0x73: {  	_ =	shalt  }
0x74: {  	_ =	shalt  }
0x75: {  	_ =	shalt  }
0x76: {  	_ =	shalt  }
0x77: {  	_ =	shalt  }
0x78: {  	_ =	shalt  }
0x79: {  	_ =	shalt  }
0x7a: {  	_ =	shalt  }
0x7b: {  	_ =	shalt  }
0x7c: {  	_ =	shalt  }
0x7d: {  	_ =	shalt  }
0x7e: {  	_ =	shalt  }
0x7f: {  	_ =	shalt  }
0x80: {  	_ =	shalt  }
0x81: {  	_ =	shalt  }
0x82: {  	_ =	shalt  }
0x83: {  	_ =	shalt  }
0x84: {  	_ =	shalt  }
0x85: {  	_ =	shalt  }
0x86: {  	_ =	shalt  }
0x87: {  	_ =	shalt  }
.Lfunc_end0:
.L_simem_size_0:
called_computation.1_lowered:
.L_overlay_start_0:
0x88: {  	s2 =	sld [smem:$0x3FD9]  }
0x89: {  	s3 =	sld [smem:$0x3FFE];
	_ =	sdelay $0x1  }
0x8a: {  	s1 =	srdreg.scid  }
0x8b: {  	s0 =	sand.u32 $0x1, s1  }
0x8c: {  	s17 =	sshll.u32 s0, $0xA;
	s2 =	sadd.s32 s3, s2  }
0x8d: {  	s2 =	sadd.s32 s2, s17  }
0x8e: {  	[smem:$0x3FB9] =	sst s2  }
0x8f: {  	_ = 	snop  }
0x90: {  	(tm) =	ssettm $0x1  }
0x91: {  	s18 =	sld [smem:$0x3FFB];
	_ =	sdelay $0x3  }
0x92: {  	_ =	strace s18  }
0x93: {  	s2 =	sld [smem:$0x3FFC];
	_ =	sdelay $0x3  }
0x94: {  	_ =	strace s2  }
0x95: {  	s2 =	sld [smem:$0x3FFD];
	_ =	sdelay $0x3  }
0x96: {  	_ =	strace s2  }
0x97: {  	_ =	strace $0x8FFFFFFF  }
0x98: {  	s19 =	sld [smem:$0x3FDB];
	_ =	sdelay $0x1  }
0x99: {  	s20 =	simm.s32 $_scs_section_size  }
0x9a: {  	s4 =	simm.s32 $_size__tile_overlayer_lowered;
	s5 =	simm.s32 $_tile_overlayer_lowered  }
0x9b: {  	s6 =	simm.s32 $0x1BFF;
	s21 =	sshll.u32 s5, $0x1;
	s3 =	sadd.s32 s20, s19  }
0x9c: {  	s22 =	simm.s32 $0x0;
	s4 =	sshll.u32 s4, $0x1;
	s5 =	sadd.s32 s21, s3  }
0x9d: {  	[timem:s22], [sflag:s6] =	dma.local [hbm:s5], s4  }
0x9e: {  	_ =	swait.ge [sflag:s6], s4  }
0x9f: {  	s4 =	ssub.s32 $0x0, s4;
	[sflag:s6] =	ssyncset.done $0x0  }
0xa0: {  	[sflag:s6] =	ssyncadd.s32 s4;
	_ =	sdelay $0x1  }
0xa1: {  	s23 =	simm.s32 $0x1B8B  }
0xa2: {  	_ =	swait.ge [sflag:s23], $0x1  }
0xa3: {  	[sflag:s23] =	ssyncset.done $0x0  }
0xa4: {  	[sflag:s23] =	ssyncadd.s32 $0xFFFFFFFF  }
0xa5: {  	s4 =	sld [smem:$0x0]  }
0xa6: {  	s5 =	sand.u32 $0xFFFFFFFE, s1  }
0xa7: {  	p0 =	sne.s32 s1, s5  }
0xa8: {  	s5 =	sshll.u32 @p0 s5, $0xE  }
0xa9: {  	s5 =	sadd.s32 @p0 $0x11B8D, s5;
	s6 =	sshll.u32 @p0 s4, $0x11  }
0xaa: {  	s5 =	sor.u32 @p0 s6, s5  }
0xab: {  	[sflag:s5] =	ssyncadd.remote.s32 @p0 $0x1;
	_ =	sdelay $0x1  }
0xac: {  	s5 =	simm.s32 @p0 $0x1B8D  }
0xad: {  	_ =	swait.eq @p0 [sflag:s5], $0x1  }
0xae: {  	[sflag:s5] =	ssyncadd.s32 @p0 $0xFFFFFFFF  }
0xaf: {  	s6 =	sshll.u32 @!p0 s1, $0xE  }
0xb0: {  	s6 =	sor.u32 @!p0 $0x4000, s6;
	s5 =	simm.s32 @!p0 $0x1B8D  }
0xb1: {  	s4 =	sshll.u32 @!p0 s4, $0x11;
	s6 =	sadd.s32 @!p0 $0x11B8D, s6;
	_ =	swait.eq @!p0 [sflag:s5], $0x1  }
0xb2: {  	s4 =	sor.u32 @!p0 s4, s6;
	[sflag:s5] =	ssyncadd.s32 @!p0 $0xFFFFFFFF  }
0xb3: {  	s25 =	simm.s32 $0x1B8E;
	s24 =	sld [smem:$0x3FFE];
	[sflag:s4] =	ssyncadd.remote.s32 @!p0 $0x1  }
0xb4: {  	s26 =	simm.s32 $execute0_lowered;
	[smem:$0x3FD2] =	sst s25  }
0xb5: {  	s5 =	sshll.u32 s26, $0x1;
	_ =	strace $0x80000049;
	[dreg:$0x1] =	wrdreg $0xFFFFFFFF  }
0xb6: {  	s28 =	simm.s32 $_size_execute0_lowered;
	s3 =	sadd.s32 s3, s5;
	[dreg:$0x0] =	wrdreg $0x0  }
0xb7: {  	s5 =	sshll.u32 s28, $0x1;
	[dreg:$0x2] =	wrdreg s3  }
0xb8: {  	[dreg:$0x3] =	wrdreg s5  }
0xb9: {  	[dreg:$0x4] =	wrdreg $0xC0  }
0xba: {  	_ =	task [dreg:s22], $0x5FFFF  }
0xbb: {  	[dreg:$0x1] =	wrdreg $0xFFFFFFFF  }
0xbc: {  	[dreg:$0x0] =	wrdreg $0x60  }
0xbd: {  	[dreg:$0x2] =	wrdreg s24  }
0xbe: {  	[dreg:$0x3] =	wrdreg $0xA  }
0xbf: {  	_ =	task.clear_ibuf [dreg:s22], $0x4FFFF;
	_ =	strace $0x90000049  }
0xc0: {  	s29 =	simm.s32 $0xA;
	_ =	strace $0x8000004B  }
0xc1: {  	_ =	swait.ge [sflag:s29], $0x1  }
0xc2: {  	[sflag:s29] =	ssyncadd.s32 $0xFFFFFFFF  }
0xc3: {  	_ =	strace $0x9000004B  }
0xc4: {  	_ =	sfence  }
0xc5: {  	s30 =	sld [smem:$0x0];
	_ =	sdelay $0x2  }
0xc6: {  	s31 =	sshll.u32 s1, $0xD;
	s1 =	sshrl.u32 s1, $0x2  }
0xc7: {  	s4 =	sand.u32 $0x4000, s31;
	s1 =	sadd.s32 s1, s30  }
0xc8: {  	s0 =	sor.u32 s4, s0;
	s1 =	sshll.u32 s1, $0x11  }
0xc9: {  	s0 =	sor.u32 s1, s0  }
0xca: {  	s0 =	sadd.s32 $0x8F2B, s0  }
0xcb: {  	[sflag:s0] =	ssyncadd.remote.s32 $0x1  }
0xcc: {  	_ =	sfence.sel $0xFFFF  }
0xcd: {  	[dreg:$0x0] =	wrdreg $0xFFFFFFFF;
	(pc) =	sbr.abs _section_cstart, $3  }
0xce: {  	[dreg:$0x1] =	wrdreg $0xFFFFFFFF  }
0xcf: {  	_ =	task.clear_ibuf [dreg:s22], $0x2FFFF;
	_ =	strace $0x9FFFFFFF  }
0xd0: {  	(tm) =	ssettm $0x7FFFFFFF  }
0xd1: {  	_ =	shalt  }
tec
execute0_lowered:
.L_overlay_start_1:
0x0: {  	(tag) =	ssettag $0x1  }
0x1: {  	s4 =	rddreg [dreg:$0x0]  }
0x2: {  	s0 =	rddreg [dreg:$0x1];
	s2 =	simm.s32 $0x0;
	s1 =	stileid.u32  }
0x3: {  	s3 =	srdreg.scid;
	s10 =	simm.s32 $0x0;
	s6 =	smul.u32 $0x30D40, s1  }
0x4: {  	[smem:$0x7FF] =	sst s2;
	s5 =	sand.u32 $0x1, s3;
	s8 =	smul.u32 $0x927C0, s1  }
0x5: {  	s3 =	sadd.s32 $0x30FE00, s4;
	s7 =	smul.u32 $0x186A0, s5;
	s9 =	ssub.s32 $0x2, s5  }
0x6: {  	_ =	strace $0x8000004A;
	s5 =	smul.u32 $0x493E0, s5;
	s31 =	sshrl.u32 s9, $0x1  }
0x7: {  	s8 =	sadd.s32 s8, s4;
	s6 =	sadd.s32 s7, s6;
	s7 =	ssub.s32 s9, s31  }
0x8: {  	s5 =	sadd.s32 s5, s8;
	s8 =	simm.s32 $0x7D0;
	s6 =	sshrl.u32 s6, $0x3  }
0x9: {  	s9 =	simm.s32 $0x1;
	s5 =	sadd.s32 $0xC80E00, s5;
	s6 =	sadd.s32 s6, s4  }
0xa: {  	s4 =	smax.u32 s7, $0x1;
	s7 =	simm.s32 $0x2;
	s6 =	sadd.s32 $0x127800, s6  }
.LBB2_1:
0xb: {  	s11 =	sadd.s32 $0x0, s6  }
0xc: {  	[tilespmem:s2], [sflag:$0x2] =	stream.linear.gather [hbm4b:s11+s2], $0x7D0, $0x38;
	[tilespmem:$0xC350] =	vst v63  }
0xd: {  	_ =	swait.ge [sflag:s7], $0x7D0  }
0xe: {  	[sflag:s7] =	ssyncset.done $0x0  }
0xf: {  	[sflag:s7] =	ssyncadd.s32 $0xFFFFF830  }
0x10: {  	[tilespmem:s8], [sflag:$0x1] =	stream.indirect.gather [hbm4b:s3+s8], $0x18, s2, s8, $0xb8;
	[tilespmem:$0xC350] =	vst v63  }
0x11: {  	_ =	swait.ge [sflag:s9], $0xBB80  }
0x12: {  	[sflag:s9] =	ssyncset.done $0x0  }
0x13: {  	[sflag:s9] =	ssyncadd.s32 $0xFFFF4480  }
0x14: {  	[hbm4b:s5+s2] =	stream.linear.scatter [tilespmem:s8], [sflag:$0x2], $0xBB80, $0x38;
	[tilespmem:$0xC350] =	vst v63  }
0x15: {  	s12 =	simm.s32 $0xFA;
	_ =	swait.ge [sflag:s7], $0xBB80  }
0x16: {  	s13 =	simm.s32 $0x1F4;
	s11 =	sadd.s32 $0x1770, s5;
	[sflag:s7] =	ssyncset.done $0x0  }
.LBB2_2:
0x17: {  	s14 =	sadd.s32 s12, s6  }
0x18: {  	[sflag:s7] =	ssyncadd.s32 $0xFFFF4480;
	s12 =	smov.u32 s13;
	s15 =	sadd.s32 $0xFA, s13  }
0x19: {  	[tilespmem:s2], [sflag:$0x2] =	stream.linear.gather [hbm4b:s14+s2], $0x7D0, $0x38;
	[tilespmem:$0xC350] =	vst v63  }
0x1a: {  	p0 =	sne.s32 s13, $0x2FDA;
	_ =	swait.ge [sflag:s7], $0x7D0  }
0x1b: {  	[sflag:s7] =	ssyncset.done $0x0  }
0x1c: {  	[sflag:s7] =	ssyncadd.s32 $0xFFFFF830  }
0x1d: {  	[tilespmem:s8], [sflag:$0x1] =	stream.indirect.gather [hbm4b:s3+s8], $0x18, s2, s8, $0xb8;
	[tilespmem:$0xC350] =	vst v63  }
0x1e: {  	_ =	swait.ge [sflag:s9], $0xBB80  }
.Ltmp0:
0x1f: {  	[sflag:s9] =	ssyncset.done $0x0;
	(pc) =	sbr.rel @p0 .LBB2_2-.Ltmp0, $4  }
0x20: {  	[sflag:s9] =	ssyncadd.s32 $0xFFFF4480  }
0x21: {  	[hbm4b:s11+s2] =	stream.linear.scatter [tilespmem:s8], [sflag:$0x2], $0xBB80, $0x38;
	[tilespmem:$0xC350] =	vst v63  }
0x22: {  	_ =	swait.ge [sflag:s7], $0xBB80  }
0x23: {  	s13 =	smov.u32 s15;
	s11 =	sadd.s32 $0x1770, s11;
	[sflag:s7] =	ssyncset.done $0x0  }
0x24: {  	s12 =	sadd.s32 s12, s6;
	[sflag:s7] =	ssyncadd.s32 $0xFFFF4480  }
0x25: {  	[tilespmem:s2], [sflag:$0x2] =	stream.linear.gather [hbm4b:s12+s2], $0x7D0, $0x38;
	[tilespmem:$0xC350] =	vst v63  }
0x26: {  	_ =	swait.ge [sflag:s7], $0x7D0  }
0x27: {  	[sflag:s7] =	ssyncset.done $0x0  }
0x28: {  	[sflag:s7] =	ssyncadd.s32 $0xFFFFF830  }
0x29: {  	[tilespmem:s8], [sflag:$0x1] =	stream.indirect.gather [hbm4b:s3+s8], $0x18, s2, s8, $0xb8;
	[tilespmem:$0xC350] =	vst v63  }
0x2a: {  	s10 =	sadd.s32 $0x1, s10;
	_ =	swait.ge [sflag:s9], $0xBB80  }
0x2b: {  	p0 =	sne.s32 s10, s4;
	[sflag:s9] =	ssyncset.done $0x0  }
.Ltmp1:
0x2c: {  	[sflag:s9] =	ssyncadd.s32 $0xFFFF4480;
	(pc) =	sbr.rel @p0 .LBB2_1-.Ltmp1, $4  }
0x2d: {  	[hbm4b:s11+s2] =	stream.linear.scatter [tilespmem:s8], [sflag:$0x2], $0xBB80, $0x38;
	[tilespmem:$0xC350] =	vst v63  }
0x2e: {  	_ =	swait.ge [sflag:s7], $0xBB80  }
0x2f: {  	[sflag:s7] =	ssyncset.done $0x0  }
0x30: {  	[sflag:s7] =	ssyncadd.s32 $0xFFFF4480  }
0x31: {  	_ =	sfence.sel $0x180000  }
0x32: {  	[bflag:$0x0] =	sbarrier.arrive $0xFFFF  }
0x33: {  	p0 =	sne.s32 s1, $0x0;
	_ =	strace $0x9000004A  }
0x34: {  	s0 =	sadd.s32 @!p0 $0x100000, s0;
	[bflag:$0x2] =	sbarrier.arrive $0xFFFF  }
0x35: {  	[sflag:s0] =	ssyncadd.tile.s32 @!p0 $0x1;
	_ =	shalt  }
.Lfunc_end2:
_tile_overlayer_lowered:
.L_overlay_start_2:
0x36: {  	(tag) =	ssettag $0x2  }
0x37: {  	s0 =	rddreg [dreg:$0x0];
	s2 =	stileid.u32  }
0x38: {  	s1 =	rddreg [dreg:$0x1];
	p0 =	sne.s32 s2, $0x0  }
0x39: {  	s3 =	rddreg [dreg:$0x2];
	[bflag:$0x3] =	sbarrier.arrive $0xFFFF;
	s2 =	simm.s32 @!p0 $0x1C02  }
0x3a: {  	[timem:s3], [sflag:s2] =	dma.local @!p0 [hbm:s0], s1  }
0x3b: {  	s0 =	simm.s32 @!p0 $0x2  }
0x3c: {  	_ =	swait.ge @!p0 [sflag:s0], s1  }
0x3d: {  	s1 =	ssub.s32 @!p0 $0x0, s1;
	[sflag:s0] =	ssyncset.done @!p0 $0x0  }
0x3e: {  	[sflag:s0] =	ssyncadd.s32 @!p0 s1  }
0x3f: {  	[bflag:$0x3] =	sbarrier.arrive $0xFFFF  }
0x40: {  	_ =	shalt  }

// kernel: kernel.14.cloned.1.call-start
scs
__scs_entry_jumppad:
0x0: {  	(pc) =	sbr.rel $0x88, $3  }
0x1: {  	(tag) =	ssettag $0x0;
	lr =	simm.s32 $0x1  }
0x2: {  	[smem:$0x3F92] =	sst lr;
	_ =	strace $0xD0000000  }
0x3: {  	_ = 	snop  }
0x4: {  	_ = 	snop  }
0x5: {  	_ = 	snop  }
0x6: {  	_ = 	snop  }
0x7: {  	_ = 	snop  }
__scs_overlays_trampoline_lowered:
0x8: {  	[smem:$0x3FA1] =	sst s0  }
0x9: {  	[smem:$0x3FA2] =	sst s1  }
0xa: {  	[smem:$0x3FA3] =	sst s2  }
0xb: {  	[smem:$0x3FA4] =	sst s3  }
0xc: {  	[smem:$0x3FA5] =	sst s4  }
0xd: {  	[smem:$0x3FA6] =	sst s5  }
0xe: {  	[smem:$0x3FA7] =	sst s6  }
0xf: {  	[smem:$0x3FA8] =	sst s7  }
0x10: {  	[smem:$0x3FA9] =	sst s8  }
0x11: {  	[smem:$0x3FAA] =	sst s9;
	s0 =	simm.s32 @!p0 $0x0  }
0x12: {  	s1 =	sld [smem:$0x3F90];
	s0 =	simm.s32 @p0 $0x1  }
0x13: {  	[smem:$0x3FAB] =	sst s0;
	s0 =	simm.s32 @!p1 $0x0  }
0x14: {  	s2 =	sld [smem:$0x3F8F];
	s0 =	simm.s32 @p1 $0x1  }
0x15: {  	[smem:$0x3FAC] =	sst s0;
	s0 =	simm.s32 @!p2 $0x0  }
0x16: {  	s3 =	sld [smem:$0x3FDB];
	s0 =	simm.s32 @p2 $0x1  }
0x17: {  	s4 =	simm.s32 $0x1BF5;
	[smem:$0x3FAE] =	sst s0  }
0x18: {  	s0 =	sld [smem:$0x3F91];
	_ =	swait.ge [sflag:s4], $0x0  }
0x19: {  	s7 =	sld [smem:$0x3F92]  }
0x1a: {  	s8 =	sadd.s32 $0xFFFFE003, lr  }
0x1b: {  	s9 =	sadd.s32 $0xFFFFFEF7, lr;
	s5 =	simm.s32 $0xFFFFFFFF;
	p2 =	slt.u32 s8, $0xFFFFF086  }
0x1c: {  	p1 =	slt.u32 s9, $0xF7A;
	s5 =	simm.s32 @!p2 $0x0  }
0x1d: {  	s5 =	simm.s32 @p1 $0x1;
	p0 =	seq.s32 s7, s2  }
0x1e: {  	s7 =	smul.u32 @!p0 $0xF7A, s2;
	p2 =	seq.s32 @!p0 s5, $0x0  }
0x1f: {  	s9 =	smul.u32 $0xF7A, s1;
	s8 =	simm.s32 @!p0 $0x1BF5;
	p2 =	por !p2, p0  }
0x20: {  	[sflag:s8] =	ssyncset.s32 @!p0 $0xFFFFF086;
	s6 =	sadd.s32 @!p0 s3, s7;
	s7 =	simm.s32 @!p0 $0x108  }
0x21: {  	s3 =	sadd.s32 s3, s9;
	s6 =	sadd.s32 @!p0 $0x88, s6;
	s7 =	simm.s32 @p2 $0x1082  }
0x22: {  	[simem:s7], [sflag:s8] =	dma.local @!p0 [hbm:s6], $0xF7A  }
0x23: {  	s9 =	sor.u32 $0xD0000000, s2;
	s6 =	simm.s32 $0x108;
	_ =	swait.ge @!p0 [sflag:s8], $0x0  }
0x24: {  	s3 =	sadd.s32 $0x88, s3;
	s6 =	simm.s32 @!p1 $0x1082;
	[sflag:s4] =	ssyncset.s32 $0xFFFFF086  }
0x25: {  	[simem:s6], [sflag:s4] =	dma.local [hbm:s3], $0xF7A  }
0x26: {  	[smem:$0x3F92] =	sst s1;
	(tag) =	ssettag s2;
	_ =	strace s9  }
0x27: {  	s1 =	sld [smem:$0x3FA2]  }
0x28: {  	s2 =	sld [smem:$0x3FA3]  }
0x29: {  	s4 =	sld [smem:$0x3FA5]  }
0x2a: {  	p0 =	seq.s32 s5, $0x0;
	s5 =	sld [smem:$0x3FA6]  }
0x2b: {  	s6 =	sld [smem:$0x3FA7]  }
0x2c: {  	s7 =	sld [smem:$0x3FA8]  }
0x2d: {  	s3 =	simm.s32 $0x108;
	s8 =	sld [smem:$0x3FA9]  }
0x2e: {  	s3 =	simm.s32 @!p0 $0x1082;
	s9 =	sld [smem:$0x3FAA]  }
0x2f: {  	lr =	sadd.s32 s0, s3;
	s0 =	sld [smem:$0x3FA1]  }
0x30: {  	s3 =	sld [smem:$0x3FA4]  }
0x31: {  	[smem:$0x3FAD] =	sst s10  }
0x32: {  	s10 =	sld [smem:$0x3FAB];
	_ =	sdelay $0x3  }
0x33: {  	p0 =	seq.s32 s10, $0x1;
	s10 =	sld [smem:$0x3FAD];
	_ =	sdelay $0x3  }
0x34: {  	[smem:$0x3FAD] =	sst s10  }
0x35: {  	s10 =	sld [smem:$0x3FAC];
	_ =	sdelay $0x3  }
0x36: {  	p1 =	seq.s32 s10, $0x1;
	s10 =	sld [smem:$0x3FAD];
	_ =	sdelay $0x3  }
0x37: {  	[smem:$0x3FAD] =	sst s10  }
0x38: {  	s10 =	sld [smem:$0x3FAE]  }
0x39: {  	_ = 	snop;
	(pc) =	sbr.ind lr, $3  }
0x3a: {  	_ = 	snop  }
0x3b: {  	_ = 	snop  }
0x3c: {  	p2 =	seq.s32 s10, $0x1;
	s10 =	sld [smem:$0x3FAD]  }
0x3d: {  	_ =	shalt  }
0x3e: {  	_ =	shalt  }
0x3f: {  	_ =	shalt  }
0x40: {  	_ =	shalt  }
0x41: {  	_ =	shalt  }
0x42: {  	_ =	shalt  }
0x43: {  	_ =	shalt  }
0x44: {  	_ =	shalt  }
0x45: {  	_ =	shalt  }
0x46: {  	_ =	shalt  }
0x47: {  	_ =	shalt  }
0x48: {  	_ =	shalt  }
0x49: {  	_ =	shalt  }
0x4a: {  	_ =	shalt  }
0x4b: {  	_ =	shalt  }
0x4c: {  	_ =	shalt  }
0x4d: {  	_ =	shalt  }
0x4e: {  	_ =	shalt  }
0x4f: {  	_ =	shalt  }
0x50: {  	_ =	shalt  }
0x51: {  	_ =	shalt  }
0x52: {  	_ =	shalt  }
0x53: {  	_ =	shalt  }
0x54: {  	_ =	shalt  }
0x55: {  	_ =	shalt  }
0x56: {  	_ =	shalt  }
0x57: {  	_ =	shalt  }
0x58: {  	_ =	shalt  }
0x59: {  	_ =	shalt  }
0x5a: {  	_ =	shalt  }
0x5b: {  	_ =	shalt  }
0x5c: {  	_ =	shalt  }
0x5d: {  	_ =	shalt  }
0x5e: {  	_ =	shalt  }
0x5f: {  	_ =	shalt  }
0x60: {  	_ =	shalt  }
0x61: {  	_ =	shalt  }
0x62: {  	_ =	shalt  }
0x63: {  	_ =	shalt  }
0x64: {  	_ =	shalt  }
0x65: {  	_ =	shalt  }
0x66: {  	_ =	shalt  }
0x67: {  	_ =	shalt  }
0x68: {  	_ =	shalt  }
0x69: {  	_ =	shalt  }
0x6a: {  	_ =	shalt  }
0x6b: {  	_ =	shalt  }
0x6c: {  	_ =	shalt  }
0x6d: {  	_ =	shalt  }
0x6e: {  	_ =	shalt  }
0x6f: {  	_ =	shalt  }
0x70: {  	_ =	shalt  }
0x71: {  	_ =	shalt  }
0x72: {  	_ =	shalt  }
0x73: {  	_ =	shalt  }
0x74: {  	_ =	shalt  }
0x75: {  	_ =	shalt  }
0x76: {  	_ =	shalt  }
0x77: {  	_ =	shalt  }
0x78: {  	_ =	shalt  }
0x79: {  	_ =	shalt  }
0x7a: {  	_ =	shalt  }
0x7b: {  	_ =	shalt  }
0x7c: {  	_ =	shalt  }
0x7d: {  	_ =	shalt  }
0x7e: {  	_ =	shalt  }
0x7f: {  	_ =	shalt  }
0x80: {  	_ =	shalt  }
0x81: {  	_ =	shalt  }
0x82: {  	_ =	shalt  }
0x83: {  	_ =	shalt  }
0x84: {  	_ =	shalt  }
0x85: {  	_ =	shalt  }
0x86: {  	_ =	shalt  }
0x87: {  	_ =	shalt  }
.Lfunc_end0:
.L_simem_size_0:
called_computation.2_lowered:
.L_overlay_start_0:
0x88: {  	s2 =	sld [smem:$0x3FD9]  }
0x89: {  	s3 =	sld [smem:$0x3FFE];
	_ =	sdelay $0x1  }
0x8a: {  	s1 =	srdreg.scid  }
0x8b: {  	s0 =	sand.u32 $0x1, s1  }
0x8c: {  	s14 =	sshll.u32 s0, $0xA;
	s2 =	sadd.s32 s3, s2  }
0x8d: {  	s2 =	sadd.s32 s2, s14  }
0x8e: {  	[smem:$0x3FB9] =	sst s2  }
0x8f: {  	_ = 	snop  }
0x90: {  	s2 =	sld [smem:$0x3FD0];
	_ =	sdelay $0x2  }
0x91: {  	s15 =	simm.s32 $0xB;
	s4 =	simm.s32 $0x10  }
0x92: {  	[smem:s4], [sflag:s15] =	dma.local [hbm:s2], $0x1  }
0x93: {  	_ =	swait.eq [sflag:s15], $0x1  }
0x94: {  	[sflag:s15] =	ssyncset.done $0x0  }
0x95: {  	[sflag:s15] =	ssyncadd.s32 $0xFFFFFFFF  }
0x96: {  	s16 =	sld [smem:$0x10];
	(tm) =	ssettm $0x1  }
0x97: {  	s17 =	sld [smem:$0x3FFB];
	_ =	sdelay $0x3  }
0x98: {  	_ =	strace s17  }
0x99: {  	s3 =	sld [smem:$0x3FFC];
	_ =	sdelay $0x3  }
0x9a: {  	_ =	strace s3  }
0x9b: {  	s3 =	sld [smem:$0x3FFD];
	_ =	sdelay $0x3  }
0x9c: {  	_ =	strace s3  }
0x9d: {  	_ =	strace $0x8FFFFFFF  }
0x9e: {  	s18 =	sld [smem:$0x3FDB];
	_ =	sdelay $0x1  }
0x9f: {  	s19 =	simm.s32 $_scs_section_size  }
0xa0: {  	s5 =	simm.s32 $_size__tile_overlayer_lowered;
	s6 =	simm.s32 $_tile_overlayer_lowered  }
0xa1: {  	s22 =	simm.s32 $0x1BFF;
	s21 =	sshll.u32 s6, $0x1;
	s3 =	sadd.s32 s19, s18  }
0xa2: {  	s7 =	simm.s32 $0x0;
	s20 =	sshll.u32 s5, $0x1;
	s5 =	sadd.s32 s21, s3  }
0xa3: {  	[timem:s7], [sflag:s22] =	dma.local [hbm:s5], s20  }
0xa4: {  	_ =	swait.ge [sflag:s22], s20  }
0xa5: {  	s4 =	ssub.s32 $0x0, s20;
	[sflag:s22] =	ssyncset.done $0x0  }
0xa6: {  	[sflag:s22] =	ssyncadd.s32 s4;
	_ =	sdelay $0x1  }
0xa7: {  	s23 =	simm.s32 $0x1B8B  }
0xa8: {  	_ =	swait.ge [sflag:s23], $0x1  }
0xa9: {  	[sflag:s23] =	ssyncset.done $0x0  }
0xaa: {  	s25 =	simm.s32 $0x1B8E;
	s24 =	sld [smem:$0x3FFE];
	[sflag:s23] =	ssyncadd.s32 $0xFFFFFFFF  }
0xab: {  	s26 =	simm.s32 $execute0_lowered;
	[smem:$0x3FD2] =	sst s25  }
0xac: {  	s5 =	sshll.u32 s26, $0x1;
	_ =	strace $0x8000004C;
	[dreg:$0x1] =	wrdreg $0xFFFFFFFF  }
0xad: {  	s28 =	simm.s32 $_size_execute0_lowered;
	s3 =	sadd.s32 s3, s5;
	[dreg:$0x0] =	wrdreg $0x0  }
0xae: {  	s5 =	sshll.u32 s28, $0x1;
	[dreg:$0x2] =	wrdreg s3  }
0xaf: {  	[dreg:$0x3] =	wrdreg s5  }
0xb0: {  	[dreg:$0x4] =	wrdreg $0xC0  }
0xb1: {  	_ =	task [dreg:s7], $0x5FFFF  }
0xb2: {  	[dreg:$0x1] =	wrdreg $0xFFFFFFFF  }
0xb3: {  	[dreg:$0x0] =	wrdreg $0x60  }
0xb4: {  	[dreg:$0x2] =	wrdreg s24  }
0xb5: {  	[dreg:$0x3] =	wrdreg s16  }
0xb6: {  	[dreg:$0x4] =	wrdreg $0xCD00  }
0xb7: {  	[dreg:$0x5] =	wrdreg $0x9  }
0xb8: {  	_ =	task.clear_ibuf [dreg:s7], $0x6FFFF;
	_ =	strace $0x9000004C  }
0xb9: {  	s29 =	simm.s32 $0x9;
	_ =	strace $0x8000004E  }
0xba: {  	_ =	swait.ge [sflag:s29], $0x1  }
0xbb: {  	[sflag:s29] =	ssyncadd.s32 $0xFFFFFFFF  }
0xbc: {  	_ =	strace $0x9000004E  }
0xbd: {  	_ =	sfence  }
0xbe: {  	s30 =	sld [smem:$0x0];
	_ =	sdelay $0x2  }
0xbf: {  	s31 =	sshll.u32 s1, $0xD;
	s1 =	sshrl.u32 s1, $0x2  }
0xc0: {  	s3 =	sand.u32 $0x4000, s31;
	s1 =	sadd.s32 s1, s30  }
0xc1: {  	s0 =	sor.u32 s3, s0;
	s1 =	sshll.u32 s1, $0x11  }
0xc2: {  	s0 =	sor.u32 s1, s0  }
0xc3: {  	s0 =	sadd.s32 $0x8F2B, s0  }
0xc4: {  	[sflag:s0] =	ssyncadd.remote.s32 $0x1  }
0xc5: {  	_ =	sfence.sel $0xFFFF  }
0xc6: {  	[dreg:$0x0] =	wrdreg $0xFFFFFFFF;
	(pc) =	sbr.abs _section_cstart, $3  }
0xc7: {  	[dreg:$0x1] =	wrdreg $0xFFFFFFFF  }
0xc8: {  	_ =	task.clear_ibuf [dreg:s7], $0x2FFFF;
	_ =	strace $0x9FFFFFFF  }
0xc9: {  	(tm) =	ssettm $0x7FFFFFFF  }
tec
execute0_lowered:
.L_overlay_start_1:
0x0: {  	(tag) =	ssettag $0x1  }
0x1: {  	s5 =	rddreg [dreg:$0x0]  }
0x2: {  	s1 =	rddreg [dreg:$0x1];
	s3 =	srdreg.scid  }
0x3: {  	s2 =	rddreg [dreg:$0x2];
	s6 =	sand.u32 $0x1, s3  }
0x4: {  	s3 =	stileid.u32;
	s7 =	smul.u32 $0x3D090, s6  }
0x5: {  	s0 =	rddreg [dreg:$0x3];
	s8 =	smul.u32 $0x3D09, s3  }
0x6: {  	s4 =	simm.s32 $0x0;
	s18 =	simm.s32 $0x1;
	s9 =	smul.u32 $0x61A80, s6  }
0x7: {  	s19 =	simm.s32 $0x2;
	s20 =	simm.s32 $0x28;
	s11 =	smul.u32 $0x7A1C0, s3  }
0x8: {  	s21 =	simm.s32 $0x3;
	[smem:$0x7FF] =	sst s4;
	s28 =	smul.u32 $0x30D40, s3  }
0x9: {  	s10 =	sadd.s32 $0xC5A00, s5;
	_ =	strace $0x8000004D;
	s29 =	smul.u32 $0xF4240, s3  }
0xa: {  	s6 =	ssub.s32 $0x2, s6;
	s26 =	sshll.u32 s3, $0x6;
	s13 =	smul.u32 $0x7A120, s3  }
0xb: {  	s31 =	smul.u32 $0x61A8, s3;
	s24 =	sshrl.u32 s6, $0x1;
	s7 =	sadd.s32 s8, s7  }
0xc: {  	s9 =	sadd.s32 s9, s5;
	s8 =	ssub.s32 s6, s24;
	s25 =	sshrl.u32 s11, $0x2  }
0xd: {  	s30 =	sor.u32 $0x28, s28;
	s14 =	sshrl.u32 s28, $0x3;
	s11 =	sadd.s32 $0x50, s28  }
0xe: {  	s6 =	sadd.s32 s10, s29;
	s13 =	sshrl.u32 s13, $0x2;
	s7 =	sadd.s32 s7, s5  }
0xf: {  	s12 =	sadd.s32 s25, s2;
	s5 =	sor.u32 $0x1C04, s26;
	s15 =	smul.u32 $0x5, s30  }
0x10: {  	s23 =	sadd.s32 $0x2400, s9;
	s16 =	smul.u32 $0x5, s11;
	s24 =	sadd.s32 s13, s2  }
0x11: {  	s8 =	smax.u32 s8, $0x1;
	s17 =	sshrl.u32 s30, $0x3;
	s22 =	sshrl.u32 s11, $0x3  }
0x12: {  	s25 =	sadd.s32 $0xF, s31;
	s7 =	sadd.s32 $0x1007E00, s7;
	s11 =	sshrl.u32 s12, $0x3  }
0x13: {  	s12 =	simm.s32 $0x4;
	s13 =	sadd.s32 s14, s23;
	s14 =	simm.s32 $0xC80  }
0x14: {  	s22 =	sadd.s32 s23, s22;
	s24 =	sshrl.u32 s24, $0x3;
	s9 =	sadd.s32 s10, s15  }
0x15: {  	s10 =	sadd.s32 s10, s16;
	s15 =	sadd.s32 s23, s17;
	s16 =	simm.s32 $0xCA8  }
0x16: {  	s17 =	simm.s32 $0x640;
	s23 =	sadd.s32 s23, s25;
	s25 =	simm.s32 $0x0  }
.LBB2_1:
0x17: {  	[spmem:s11], [sflag:s5] =	dma.local [hbm:s1], $0x3D0E  }
0x18: {  	_ =	swait.ge [sflag:s12], $0x3D0E  }
0x19: {  	[sflag:s12] =	ssyncset.done $0x0  }
0x1a: {  	[sflag:s12] =	ssyncadd.s32 $0xFFFFC2F2  }
0x1b: {  	[bflag:$0x0] =	sbarrier.arrive $0xFFFF  }
0x1c: {  	[tilespmem:s14], [sflag:$0x1] =	stream.linear.gather [hbm4b:s13+s4], $0x28, $0x38;
	[tilespmem:$0x1F540] =	vst v63  }
0x1d: {  	_ = 	snop  }
0x1e: {  	[tilespmem:s4], [sflag:$0x2] =	stream.linear.gather [hbm4b:s6+s4], $0x640, $0x38;
	[tilespmem:$0x1F540] =	vst v63  }
0x1f: {  	_ = 	snop  }
0x20: {  	[tilespmem:s16], [sflag:$0x1] =	stream.linear.gather [hbm4b:s15+s4], $0x28, $0x38;
	[tilespmem:$0x1F540] =	vst v63  }
0x21: {  	_ = 	snop  }
0x22: {  	[tilespmem:s17], [sflag:$0x2] =	stream.linear.gather [hbm4b:s9+s4], $0x640, $0x38;
	[tilespmem:$0x1F540] =	vst v63  }
0x23: {  	_ =	swait.ge [sflag:s18], $0x28  }
0x24: {  	[sflag:s18] =	ssyncset.done $0x0  }
0x25: {  	[sflag:s18] =	ssyncadd.s32 $0xFFFFFFD8  }
0x26: {  	_ =	swait.ge [sflag:s19], $0x640  }
0x27: {  	[sflag:s19] =	ssyncset.done $0x0  }
0x28: {  	[sflag:s19] =	ssyncadd.s32 $0xFFFFF9C0  }
0x29: {  	[spmem:s2] =	stream.indirect.scatter.add.f32 [tilespmem:s4], [sflag:$0x3], $0x28, s14, s20, $0xb8;
	[tilespmem:$0x1F540] =	vst v63  }
0x2a: {  	_ =	swait.ge [sflag:s21], $0x640  }
0x2b: {  	[sflag:s21] =	ssyncset.done $0x0  }
0x2c: {  	[sflag:s21] =	ssyncadd.s32 $0xFFFFF9C0  }
0x2d: {  	[tilespmem:s14], [sflag:$0x1] =	stream.linear.gather [hbm4b:s22+s4], $0x28, $0x38;
	[tilespmem:$0x1F540] =	vst v63  }
0x2e: {  	_ = 	snop  }
0x2f: {  	[tilespmem:s4], [sflag:$0x2] =	stream.linear.gather [hbm4b:s10+s4], $0x640, $0x38;
	[tilespmem:$0x1F540] =	vst v63  }
0x30: {  	_ =	swait.ge [sflag:s18], $0x28  }
0x31: {  	[sflag:s18] =	ssyncset.done $0x0  }
0x32: {  	[sflag:s18] =	ssyncadd.s32 $0xFFFFFFD8  }
0x33: {  	_ =	swait.ge [sflag:s19], $0x640  }
0x34: {  	[sflag:s19] =	ssyncset.done $0x0  }
0x35: {  	[sflag:s19] =	ssyncadd.s32 $0xFFFFF9C0  }
0x36: {  	[spmem:s2] =	stream.indirect.scatter.add.f32 [tilespmem:s17], [sflag:$0x3], $0x28, s16, s20, $0xb8;
	[tilespmem:$0x1F540] =	vst v63  }
0x37: {  	_ =	swait.ge [sflag:s21], $0x640  }
0x38: {  	[sflag:s21] =	ssyncset.done $0x0  }
0x39: {  	s26 =	sadd.s32 $0x0, s6;
	[sflag:s21] =	ssyncadd.s32 $0xFFFFF9C0  }
0x3a: {  	[tilespmem:s16], [sflag:$0x1] =	stream.linear.gather [hbm4b:s23+s4], $0x28, $0x38;
	[tilespmem:$0x1F540] =	vst v63  }
0x3b: {  	s28 =	sadd.s32 $0x258, s26  }
0x3c: {  	[tilespmem:s17], [sflag:$0x2] =	stream.linear.gather [hbm4b:s28+s4], $0x640, $0x38;
	[tilespmem:$0x1F540] =	vst v63  }
0x3d: {  	_ =	swait.ge [sflag:s18], $0x28  }
0x3e: {  	[sflag:s18] =	ssyncset.done $0x0  }
0x3f: {  	[sflag:s18] =	ssyncadd.s32 $0xFFFFFFD8  }
0x40: {  	_ =	swait.ge [sflag:s19], $0x640  }
0x41: {  	[sflag:s19] =	ssyncset.done $0x0  }
0x42: {  	[sflag:s19] =	ssyncadd.s32 $0xFFFFF9C0  }
0x43: {  	[spmem:s2] =	stream.indirect.scatter.add.f32 [tilespmem:s4], [sflag:$0x3], $0x28, s14, s20, $0xb8;
	[tilespmem:$0x1F540] =	vst v63  }
0x44: {  	_ =	swait.ge [sflag:s21], $0x640  }
0x45: {  	[sflag:s21] =	ssyncset.done $0x0  }
0x46: {  	s28 =	sadd.s32 $0x5, s23;
	[sflag:s21] =	ssyncadd.s32 $0xFFFFF9C0  }
0x47: {  	[tilespmem:s14], [sflag:$0x1] =	stream.linear.gather [hbm4b:s28+s4], $0x28, $0x38;
	[tilespmem:$0x1F540] =	vst v63  }
0x48: {  	s26 =	sadd.s32 $0x320, s26  }
0x49: {  	[tilespmem:s4], [sflag:$0x2] =	stream.linear.gather [hbm4b:s26+s4], $0x640, $0x38;
	[tilespmem:$0x1F540] =	vst v63  }
0x4a: {  	_ =	swait.ge [sflag:s18], $0x28  }
0x4b: {  	[sflag:s18] =	ssyncset.done $0x0  }
0x4c: {  	[sflag:s18] =	ssyncadd.s32 $0xFFFFFFD8  }
0x4d: {  	_ =	swait.ge [sflag:s19], $0x640  }
0x4e: {  	[sflag:s19] =	ssyncset.done $0x0  }
0x4f: {  	s28 =	sadd.s32 $0xA, s23;
	s26 =	simm.s32 $0x190;
	[sflag:s19] =	ssyncadd.s32 $0xFFFFF9C0  }
.LBB2_2:
0x50: {  	[spmem:s2] =	stream.indirect.scatter.add.f32 [tilespmem:s17], [sflag:$0x3], $0x28, s16, s20, $0xb8;
	[tilespmem:$0x1F540] =	vst v63  }
0x51: {  	s29 =	smov.u32 s26;
	s26 =	sadd.s32 $0x190, s26;
	_ =	swait.ge [sflag:s21], $0x640  }
0x52: {  	p0 =	sne.s32 s26, $0xF3F20;
	[sflag:s21] =	ssyncset.done $0x0  }
0x53: {  	s29 =	sadd.s32 s29, s6;
	[sflag:s21] =	ssyncadd.s32 $0xFFFFF9C0  }
0x54: {  	[tilespmem:s16], [sflag:$0x1] =	stream.linear.gather [hbm4b:s28+s4], $0x28, $0x38;
	[tilespmem:$0x1F540] =	vst v63  }
0x55: {  	s30 =	sadd.s32 $0x258, s29  }
0x56: {  	[tilespmem:s17], [sflag:$0x2] =	stream.linear.gather [hbm4b:s30+s4], $0x640, $0x38;
	[tilespmem:$0x1F540] =	vst v63  }
0x57: {  	_ =	swait.ge [sflag:s18], $0x28  }
0x58: {  	[sflag:s18] =	ssyncset.done $0x0  }
0x59: {  	[sflag:s18] =	ssyncadd.s32 $0xFFFFFFD8  }
0x5a: {  	_ =	swait.ge [sflag:s19], $0x640  }
0x5b: {  	[sflag:s19] =	ssyncset.done $0x0  }
0x5c: {  	[sflag:s19] =	ssyncadd.s32 $0xFFFFF9C0  }
0x5d: {  	[spmem:s2] =	stream.indirect.scatter.add.f32 [tilespmem:s4], [sflag:$0x3], $0x28, s14, s20, $0xb8;
	[tilespmem:$0x1F540] =	vst v63  }
0x5e: {  	_ =	swait.ge [sflag:s21], $0x640  }
0x5f: {  	[sflag:s21] =	ssyncset.done $0x0  }
0x60: {  	s30 =	sadd.s32 $0x5, s28;
	[sflag:s21] =	ssyncadd.s32 $0xFFFFF9C0  }
0x61: {  	[tilespmem:s14], [sflag:$0x1] =	stream.linear.gather [hbm4b:s30+s4], $0x28, $0x38;
	[tilespmem:$0x1F540] =	vst v63  }
0x62: {  	s29 =	sadd.s32 $0x320, s29  }
0x63: {  	[tilespmem:s4], [sflag:$0x2] =	stream.linear.gather [hbm4b:s29+s4], $0x640, $0x38;
	[tilespmem:$0x1F540] =	vst v63  }
0x64: {  	_ =	swait.ge [sflag:s18], $0x28  }
.Ltmp0:
0x65: {  	[sflag:s18] =	ssyncset.done $0x0;
	(pc) =	sbr.rel @p0 .LBB2_2-.Ltmp0, $4  }
0x66: {  	[sflag:s18] =	ssyncadd.s32 $0xFFFFFFD8  }
0x67: {  	_ =	swait.ge [sflag:s19], $0x640  }
0x68: {  	[sflag:s19] =	ssyncset.done $0x0  }
0x69: {  	s28 =	sadd.s32 $0xA, s28;
	[sflag:s19] =	ssyncadd.s32 $0xFFFFF9C0  }
0x6a: {  	[spmem:s2] =	stream.indirect.scatter.add.f32 [tilespmem:s17], [sflag:$0x3], $0x28, s16, s20, $0xb8;
	[tilespmem:$0x1F540] =	vst v63  }
0x6b: {  	_ =	swait.ge [sflag:s21], $0x640  }
0x6c: {  	[sflag:s21] =	ssyncset.done $0x0  }
0x6d: {  	s26 =	sadd.s32 s26, s6;
	[sflag:s21] =	ssyncadd.s32 $0xFFFFF9C0  }
0x6e: {  	[tilespmem:s16], [sflag:$0x1] =	stream.linear.gather [hbm4b:s28+s4], $0x28, $0x38;
	[tilespmem:$0x1F540] =	vst v63  }
0x6f: {  	s26 =	sadd.s32 $0x258, s26  }
0x70: {  	[tilespmem:s17], [sflag:$0x2] =	stream.linear.gather [hbm4b:s26+s4], $0x640, $0x38;
	[tilespmem:$0x1F540] =	vst v63  }
0x71: {  	_ =	swait.ge [sflag:s18], $0x28  }
0x72: {  	[sflag:s18] =	ssyncset.done $0x0  }
0x73: {  	[sflag:s18] =	ssyncadd.s32 $0xFFFFFFD8  }
0x74: {  	_ =	swait.ge [sflag:s19], $0x640  }
0x75: {  	[sflag:s19] =	ssyncset.done $0x0  }
0x76: {  	[sflag:s19] =	ssyncadd.s32 $0xFFFFF9C0  }
0x77: {  	[spmem:s2] =	stream.indirect.scatter.add.f32 [tilespmem:s4], [sflag:$0x3], $0x28, s14, s20, $0xb8;
	[tilespmem:$0x1F540] =	vst v63  }
0x78: {  	_ =	swait.ge [sflag:s21], $0x640  }
0x79: {  	[sflag:s21] =	ssyncset.done $0x0  }
0x7a: {  	[sflag:s21] =	ssyncadd.s32 $0xFFFFF9C0  }
0x7b: {  	_ =	swait.ge [sflag:s18], $0x28  }
0x7c: {  	[sflag:s18] =	ssyncset.done $0x0  }
0x7d: {  	[sflag:s18] =	ssyncadd.s32 $0xFFFFFFD8  }
0x7e: {  	_ =	swait.ge [sflag:s19], $0x640  }
0x7f: {  	[sflag:s19] =	ssyncset.done $0x0  }
0x80: {  	[sflag:s19] =	ssyncadd.s32 $0xFFFFF9C0  }
0x81: {  	[spmem:s2] =	stream.indirect.scatter.add.f32 [tilespmem:s17], [sflag:$0x3], $0x28, s16, s20, $0xb8;
	[tilespmem:$0x1F540] =	vst v63  }
0x82: {  	_ =	swait.ge [sflag:s21], $0x640  }
0x83: {  	s25 =	sadd.s32 $0x1, s25;
	[sflag:s21] =	ssyncset.done $0x0  }
0x84: {  	p0 =	sne.s32 s25, s8;
	[sflag:s21] =	ssyncadd.s32 $0xFFFFF9C0  }
.Ltmp1:
0x85: {  	[bflag:$0x0] =	sbarrier.arrive $0xFFFF;
	(pc) =	sbr.rel @p0 .LBB2_1-.Ltmp1, $4  }
0x86: {  	[hbm:s7], [sflag:s5] =	dma.local [spmem:s24], $0x3D09  }
0x87: {  	_ =	swait.ge [sflag:s12], $0x3D09  }
0x88: {  	[sflag:s12] =	ssyncset.done $0x0  }
0x89: {  	[sflag:s12] =	ssyncadd.s32 $0xFFFFC2F7  }
0x8a: {  	_ =	sfence.sel $0x180000  }
0x8b: {  	[bflag:$0x0] =	sbarrier.arrive $0xFFFF  }
0x8c: {  	p0 =	sne.s32 s3, $0x0;
	_ =	strace $0x9000004D  }
0x8d: {  	s0 =	sadd.s32 @!p0 $0x100000, s0;
	[bflag:$0x2] =	sbarrier.arrive $0xFFFF  }
0x8e: {  	[sflag:s0] =	ssyncadd.tile.s32 @!p0 $0x1;
	_ =	shalt  }
.Lfunc_end2:
_tile_overlayer_lowered:
.L_overlay_start_2:
0x8f: {  	(tag) =	ssettag $0x2  }
0x90: {  	s0 =	rddreg [dreg:$0x0];
	s2 =	stileid.u32  }
0x91: {  	s1 =	rddreg [dreg:$0x1];
	p0 =	sne.s32 s2, $0x0  }
0x92: {  	s3 =	rddreg [dreg:$0x2];
	[bflag:$0x3] =	sbarrier.arrive $0xFFFF;
	s2 =	simm.s32 @!p0 $0x1C04  }
0x93: {  	[timem:s3], [sflag:s2] =	dma.local @!p0 [hbm:s0], s1  }
0x94: {  	s0 =	simm.s32 @!p0 $0x4  }
0x95: {  	_ =	swait.ge @!p0 [sflag:s0], s1  }
0x96: {  	s1 =	ssub.s32 @!p0 $0x0, s1;
	[sflag:s0] =	ssyncset.done @!p0 $0x0  }
0x97: {  	[sflag:s0] =	ssyncadd.s32 @!p0 s1  }
0x98: {  	[bflag:$0x3] =	sbarrier.arrive $0xFFFF  }
0x99: {  	_ =	shalt  }

// kernel: kernel.8.cloned.1.call-start
scs
__scs_entry_jumppad:
0x0: {  	(pc) =	sbr.rel $0x88, $3  }
0x1: {  	(tag) =	ssettag $0x0;
	lr =	simm.s32 $0x1  }
0x2: {  	[smem:$0x3F92] =	sst lr;
	_ =	strace $0xD0000000  }
0x3: {  	_ = 	snop  }
0x4: {  	_ = 	snop  }
0x5: {  	_ = 	snop  }
0x6: {  	_ = 	snop  }
0x7: {  	_ = 	snop  }
__scs_overlays_trampoline_lowered:
0x8: {  	[smem:$0x3FA1] =	sst s0  }
0x9: {  	[smem:$0x3FA2] =	sst s1  }
0xa: {  	[smem:$0x3FA3] =	sst s2  }
0xb: {  	[smem:$0x3FA4] =	sst s3  }
0xc: {  	[smem:$0x3FA5] =	sst s4  }
0xd: {  	[smem:$0x3FA6] =	sst s5  }
0xe: {  	[smem:$0x3FA7] =	sst s6  }
0xf: {  	[smem:$0x3FA8] =	sst s7  }
0x10: {  	[smem:$0x3FA9] =	sst s8  }
0x11: {  	[smem:$0x3FAA] =	sst s9;
	s0 =	simm.s32 @!p0 $0x0  }
0x12: {  	s1 =	sld [smem:$0x3F90];
	s0 =	simm.s32 @p0 $0x1  }
0x13: {  	[smem:$0x3FAB] =	sst s0;
	s0 =	simm.s32 @!p1 $0x0  }
0x14: {  	s2 =	sld [smem:$0x3F8F];
	s0 =	simm.s32 @p1 $0x1  }
0x15: {  	[smem:$0x3FAC] =	sst s0;
	s0 =	simm.s32 @!p2 $0x0  }
0x16: {  	s3 =	sld [smem:$0x3FDB];
	s0 =	simm.s32 @p2 $0x1  }
0x17: {  	s4 =	simm.s32 $0x1BF5;
	[smem:$0x3FAE] =	sst s0  }
0x18: {  	s0 =	sld [smem:$0x3F91];
	_ =	swait.ge [sflag:s4], $0x0  }
0x19: {  	s7 =	sld [smem:$0x3F92]  }
0x1a: {  	s8 =	sadd.s32 $0xFFFFE003, lr  }
0x1b: {  	s9 =	sadd.s32 $0xFFFFFEF7, lr;
	s5 =	simm.s32 $0xFFFFFFFF;
	p2 =	slt.u32 s8, $0xFFFFF086  }
0x1c: {  	p1 =	slt.u32 s9, $0xF7A;
	s5 =	simm.s32 @!p2 $0x0  }
0x1d: {  	s5 =	simm.s32 @p1 $0x1;
	p0 =	seq.s32 s7, s2  }
0x1e: {  	s7 =	smul.u32 @!p0 $0xF7A, s2;
	p2 =	seq.s32 @!p0 s5, $0x0  }
0x1f: {  	s9 =	smul.u32 $0xF7A, s1;
	s8 =	simm.s32 @!p0 $0x1BF5;
	p2 =	por !p2, p0  }
0x20: {  	[sflag:s8] =	ssyncset.s32 @!p0 $0xFFFFF086;
	s6 =	sadd.s32 @!p0 s3, s7;
	s7 =	simm.s32 @!p0 $0x108  }
0x21: {  	s3 =	sadd.s32 s3, s9;
	s6 =	sadd.s32 @!p0 $0x88, s6;
	s7 =	simm.s32 @p2 $0x1082  }
0x22: {  	[simem:s7], [sflag:s8] =	dma.local @!p0 [hbm:s6], $0xF7A  }
0x23: {  	s9 =	sor.u32 $0xD0000000, s2;
	s6 =	simm.s32 $0x108;
	_ =	swait.ge @!p0 [sflag:s8], $0x0  }
0x24: {  	s3 =	sadd.s32 $0x88, s3;
	s6 =	simm.s32 @!p1 $0x1082;
	[sflag:s4] =	ssyncset.s32 $0xFFFFF086  }
0x25: {  	[simem:s6], [sflag:s4] =	dma.local [hbm:s3], $0xF7A  }
0x26: {  	[smem:$0x3F92] =	sst s1;
	(tag) =	ssettag s2;
	_ =	strace s9  }
0x27: {  	s1 =	sld [smem:$0x3FA2]  }
0x28: {  	s2 =	sld [smem:$0x3FA3]  }
0x29: {  	s4 =	sld [smem:$0x3FA5]  }
0x2a: {  	p0 =	seq.s32 s5, $0x0;
	s5 =	sld [smem:$0x3FA6]  }
0x2b: {  	s6 =	sld [smem:$0x3FA7]  }
0x2c: {  	s7 =	sld [smem:$0x3FA8]  }
0x2d: {  	s3 =	simm.s32 $0x108;
	s8 =	sld [smem:$0x3FA9]  }
0x2e: {  	s3 =	simm.s32 @!p0 $0x1082;
	s9 =	sld [smem:$0x3FAA]  }
0x2f: {  	lr =	sadd.s32 s0, s3;
	s0 =	sld [smem:$0x3FA1]  }
0x30: {  	s3 =	sld [smem:$0x3FA4]  }
0x31: {  	[smem:$0x3FAD] =	sst s10  }
0x32: {  	s10 =	sld [smem:$0x3FAB];
	_ =	sdelay $0x3  }
0x33: {  	p0 =	seq.s32 s10, $0x1;
	s10 =	sld [smem:$0x3FAD];
	_ =	sdelay $0x3  }
0x34: {  	[smem:$0x3FAD] =	sst s10  }
0x35: {  	s10 =	sld [smem:$0x3FAC];
	_ =	sdelay $0x3  }
0x36: {  	p1 =	seq.s32 s10, $0x1;
	s10 =	sld [smem:$0x3FAD];
	_ =	sdelay $0x3  }
0x37: {  	[smem:$0x3FAD] =	sst s10  }
0x38: {  	s10 =	sld [smem:$0x3FAE]  }
0x39: {  	_ = 	snop;
	(pc) =	sbr.ind lr, $3  }
0x3a: {  	_ = 	snop  }
0x3b: {  	_ = 	snop  }
0x3c: {  	p2 =	seq.s32 s10, $0x1;
	s10 =	sld [smem:$0x3FAD]  }
0x3d: {  	_ =	shalt  }
0x3e: {  	_ =	shalt  }
0x3f: {  	_ =	shalt  }
0x40: {  	_ =	shalt  }
0x41: {  	_ =	shalt  }
0x42: {  	_ =	shalt  }
0x43: {  	_ =	shalt  }
0x44: {  	_ =	shalt  }
0x45: {  	_ =	shalt  }
0x46: {  	_ =	shalt  }
0x47: {  	_ =	shalt  }
0x48: {  	_ =	shalt  }
0x49: {  	_ =	shalt  }
0x4a: {  	_ =	shalt  }
0x4b: {  	_ =	shalt  }
0x4c: {  	_ =	shalt  }
0x4d: {  	_ =	shalt  }
0x4e: {  	_ =	shalt  }
0x4f: {  	_ =	shalt  }
0x50: {  	_ =	shalt  }
0x51: {  	_ =	shalt  }
0x52: {  	_ =	shalt  }
0x53: {  	_ =	shalt  }
0x54: {  	_ =	shalt  }
0x55: {  	_ =	shalt  }
0x56: {  	_ =	shalt  }
0x57: {  	_ =	shalt  }
0x58: {  	_ =	shalt  }
0x59: {  	_ =	shalt  }
0x5a: {  	_ =	shalt  }
0x5b: {  	_ =	shalt  }
0x5c: {  	_ =	shalt  }
0x5d: {  	_ =	shalt  }
0x5e: {  	_ =	shalt  }
0x5f: {  	_ =	shalt  }
0x60: {  	_ =	shalt  }
0x61: {  	_ =	shalt  }
0x62: {  	_ =	shalt  }
0x63: {  	_ =	shalt  }
0x64: {  	_ =	shalt  }
0x65: {  	_ =	shalt  }
0x66: {  	_ =	shalt  }
0x67: {  	_ =	shalt  }
0x68: {  	_ =	shalt  }
0x69: {  	_ =	shalt  }
0x6a: {  	_ =	shalt  }
0x6b: {  	_ =	shalt  }
0x6c: {  	_ =	shalt  }
0x6d: {  	_ =	shalt  }
0x6e: {  	_ =	shalt  }
0x6f: {  	_ =	shalt  }
0x70: {  	_ =	shalt  }
0x71: {  	_ =	shalt  }
0x72: {  	_ =	shalt  }
0x73: {  	_ =	shalt  }
0x74: {  	_ =	shalt  }
0x75: {  	_ =	shalt  }
0x76: {  	_ =	shalt  }
0x77: {  	_ =	shalt  }
0x78: {  	_ =	shalt  }
0x79: {  	_ =	shalt  }
0x7a: {  	_ =	shalt  }
0x7b: {  	_ =	shalt  }
0x7c: {  	_ =	shalt  }
0x7d: {  	_ =	shalt  }
0x7e: {  	_ =	shalt  }
0x7f: {  	_ =	shalt  }
0x80: {  	_ =	shalt  }
0x81: {  	_ =	shalt  }
0x82: {  	_ =	shalt  }
0x83: {  	_ =	shalt  }
0x84: {  	_ =	shalt  }
0x85: {  	_ =	shalt  }
0x86: {  	_ =	shalt  }
0x87: {  	_ =	shalt  }
.Lfunc_end0:
.L_simem_size_0:
called_computation_lowered:
.L_overlay_start_0:
0x88: {  	s2 =	sld [smem:$0x3FD9]  }
0x89: {  	s3 =	sld [smem:$0x3FFE];
	_ =	sdelay $0x1  }
0x8a: {  	s1 =	srdreg.scid  }
0x8b: {  	s0 =	sand.u32 $0x1, s1  }
0x8c: {  	s16 =	sshll.u32 s0, $0xA;
	s2 =	sadd.s32 s3, s2  }
0x8d: {  	s2 =	sadd.s32 s2, s16  }
0x8e: {  	[smem:$0x3FB9] =	sst s2  }
0x8f: {  	_ = 	snop  }
0x90: {  	(tm) =	ssettm $0x1  }
0x91: {  	s17 =	sld [smem:$0x3FFB];
	_ =	sdelay $0x3  }
0x92: {  	_ =	strace s17  }
0x93: {  	s2 =	sld [smem:$0x3FFC];
	_ =	sdelay $0x3  }
0x94: {  	_ =	strace s2  }
0x95: {  	s2 =	sld [smem:$0x3FFD];
	_ =	sdelay $0x3  }
0x96: {  	_ =	strace s2  }
0x97: {  	_ =	strace $0x8FFFFFFF  }
0x98: {  	s18 =	sld [smem:$0x3FDB];
	_ =	sdelay $0x1  }
0x99: {  	s19 =	simm.s32 $_scs_section_size  }
0x9a: {  	s4 =	simm.s32 $_size__tile_overlayer_lowered;
	s5 =	simm.s32 $_tile_overlayer_lowered  }
0x9b: {  	s22 =	simm.s32 $0x1BFF;
	s21 =	sshll.u32 s5, $0x1;
	s2 =	sadd.s32 s19, s18  }
0x9c: {  	s6 =	simm.s32 $0x0;
	s20 =	sshll.u32 s4, $0x1;
	s4 =	sadd.s32 s21, s2  }
0x9d: {  	[timem:s6], [sflag:s22] =	dma.local [hbm:s4], s20  }
0x9e: {  	_ =	swait.ge [sflag:s22], s20  }
0x9f: {  	s3 =	ssub.s32 $0x0, s20;
	[sflag:s22] =	ssyncset.done $0x0  }
0xa0: {  	[sflag:s22] =	ssyncadd.s32 s3;
	_ =	sdelay $0x1  }
0xa1: {  	s23 =	simm.s32 $0x1B8B  }
0xa2: {  	_ =	swait.ge [sflag:s23], $0x1  }
0xa3: {  	[sflag:s23] =	ssyncset.done $0x0  }
0xa4: {  	s25 =	simm.s32 $0x1B8E;
	s24 =	sld [smem:$0x3FFE];
	[sflag:s23] =	ssyncadd.s32 $0xFFFFFFFF  }
0xa5: {  	s26 =	simm.s32 $execute0_lowered;
	[smem:$0x3FD2] =	sst s25  }
0xa6: {  	s4 =	sshll.u32 s26, $0x1;
	_ =	strace $0x80000046;
	[dreg:$0x1] =	wrdreg $0xFFFFFFFF  }
0xa7: {  	s28 =	simm.s32 $_size_execute0_lowered;
	s2 =	sadd.s32 s2, s4;
	[dreg:$0x0] =	wrdreg $0x0  }
0xa8: {  	s4 =	sshll.u32 s28, $0x1;
	[dreg:$0x2] =	wrdreg s2  }
0xa9: {  	[dreg:$0x3] =	wrdreg s4  }
0xaa: {  	[dreg:$0x4] =	wrdreg $0xC0  }
0xab: {  	_ =	task [dreg:s6], $0x5FFFF  }
0xac: {  	[dreg:$0x1] =	wrdreg $0xFFFFFFFF  }
0xad: {  	[dreg:$0x0] =	wrdreg $0x60  }
0xae: {  	[dreg:$0x2] =	wrdreg s24  }
0xaf: {  	[dreg:$0x3] =	wrdreg $0x9  }
0xb0: {  	_ =	task.clear_ibuf [dreg:s6], $0x4FFFF;
	_ =	strace $0x90000046  }
0xb1: {  	s29 =	simm.s32 $0x9;
	_ =	strace $0x80000048  }
0xb2: {  	_ =	swait.ge [sflag:s29], $0x1  }
0xb3: {  	[sflag:s29] =	ssyncadd.s32 $0xFFFFFFFF  }
0xb4: {  	_ =	strace $0x90000048  }
0xb5: {  	_ =	sfence  }
0xb6: {  	s30 =	sld [smem:$0x0];
	_ =	sdelay $0x2  }
0xb7: {  	s31 =	sshll.u32 s1, $0xD;
	s1 =	sshrl.u32 s1, $0x2  }
0xb8: {  	s3 =	sand.u32 $0x4000, s31;
	s1 =	sadd.s32 s1, s30  }
0xb9: {  	s0 =	sor.u32 s3, s0;
	s1 =	sshll.u32 s1, $0x11  }
0xba: {  	s0 =	sor.u32 s1, s0  }
0xbb: {  	s0 =	sadd.s32 $0x8F2B, s0  }
0xbc: {  	[sflag:s0] =	ssyncadd.remote.s32 $0x1  }
0xbd: {  	_ =	sfence.sel $0xFFFF  }
0xbe: {  	[dreg:$0x0] =	wrdreg $0xFFFFFFFF;
	(pc) =	sbr.abs _section_cstart, $3  }
0xbf: {  	[dreg:$0x1] =	wrdreg $0xFFFFFFFF  }
0xc0: {  	_ =	task.clear_ibuf [dreg:s6], $0x2FFFF;
	_ =	strace $0x9FFFFFFF  }
0xc1: {  	(tm) =	ssettm $0x7FFFFFFF  }
tec
execute0_lowered:
.L_overlay_start_1:
0x0: {  	(tag) =	ssettag $0x1  }
0x1: {  	s4 =	rddreg [dreg:$0x0]  }
0x2: {  	s0 =	rddreg [dreg:$0x1];
	s2 =	simm.s32 $0x0;
	s1 =	stileid.u32  }
0x3: {  	s3 =	srdreg.scid;
	s10 =	simm.s32 $0x0;
	s6 =	smul.u32 $0x30D40, s1  }
0x4: {  	[smem:$0x7FF] =	sst s2;
	s5 =	sand.u32 $0x1, s3;
	s8 =	smul.u32 $0x927C0, s1  }
0x5: {  	s3 =	sadd.s32 $0x30FE00, s4;
	s7 =	smul.u32 $0x186A0, s5;
	s9 =	ssub.s32 $0x2, s5  }
0x6: {  	_ =	strace $0x80000047;
	s5 =	smul.u32 $0x493E0, s5;
	s31 =	sshrl.u32 s9, $0x1  }
0x7: {  	s8 =	sadd.s32 s8, s4;
	s6 =	sadd.s32 s7, s6;
	s7 =	ssub.s32 s9, s31  }
0x8: {  	s5 =	sadd.s32 s5, s8;
	s8 =	simm.s32 $0x7D0;
	s6 =	sshrl.u32 s6, $0x3  }
0x9: {  	s9 =	simm.s32 $0x1;
	s5 =	sadd.s32 $0x359200, s5;
	s6 =	sadd.s32 s6, s4  }
0xa: {  	s4 =	smax.u32 s7, $0x1;
	s7 =	simm.s32 $0x2;
	s6 =	sadd.s32 $0xC5C00, s6  }
.LBB2_1:
0xb: {  	s11 =	sadd.s32 $0x0, s6  }
0xc: {  	[tilespmem:s2], [sflag:$0x2] =	stream.linear.gather [hbm4b:s11+s2], $0x7D0, $0x38;
	[tilespmem:$0xC350] =	vst v63  }
0xd: {  	_ =	swait.ge [sflag:s7], $0x7D0  }
0xe: {  	[sflag:s7] =	ssyncset.done $0x0  }
0xf: {  	[sflag:s7] =	ssyncadd.s32 $0xFFFFF830  }
0x10: {  	[tilespmem:s8], [sflag:$0x1] =	stream.indirect.gather [hbm4b:s3+s8], $0x18, s2, s8, $0xb8;
	[tilespmem:$0xC350] =	vst v63  }
0x11: {  	_ =	swait.ge [sflag:s9], $0xBB80  }
0x12: {  	[sflag:s9] =	ssyncset.done $0x0  }
0x13: {  	[sflag:s9] =	ssyncadd.s32 $0xFFFF4480  }
0x14: {  	[hbm4b:s5+s2] =	stream.linear.scatter [tilespmem:s8], [sflag:$0x2], $0xBB80, $0x38;
	[tilespmem:$0xC350] =	vst v63  }
0x15: {  	s12 =	simm.s32 $0xFA;
	_ =	swait.ge [sflag:s7], $0xBB80  }
0x16: {  	s13 =	simm.s32 $0x1F4;
	s11 =	sadd.s32 $0x1770, s5;
	[sflag:s7] =	ssyncset.done $0x0  }
.LBB2_2:
0x17: {  	s14 =	sadd.s32 s12, s6  }
0x18: {  	[sflag:s7] =	ssyncadd.s32 $0xFFFF4480;
	s12 =	smov.u32 s13;
	s15 =	sadd.s32 $0xFA, s13  }
0x19: {  	[tilespmem:s2], [sflag:$0x2] =	stream.linear.gather [hbm4b:s14+s2], $0x7D0, $0x38;
	[tilespmem:$0xC350] =	vst v63  }
0x1a: {  	p0 =	sne.s32 s13, $0x2FDA;
	_ =	swait.ge [sflag:s7], $0x7D0  }
0x1b: {  	[sflag:s7] =	ssyncset.done $0x0  }
0x1c: {  	[sflag:s7] =	ssyncadd.s32 $0xFFFFF830  }
0x1d: {  	[tilespmem:s8], [sflag:$0x1] =	stream.indirect.gather [hbm4b:s3+s8], $0x18, s2, s8, $0xb8;
	[tilespmem:$0xC350] =	vst v63  }
0x1e: {  	_ =	swait.ge [sflag:s9], $0xBB80  }
.Ltmp0:
0x1f: {  	[sflag:s9] =	ssyncset.done $0x0;
	(pc) =	sbr.rel @p0 .LBB2_2-.Ltmp0, $4  }
0x20: {  	[sflag:s9] =	ssyncadd.s32 $0xFFFF4480  }
0x21: {  	[hbm4b:s11+s2] =	stream.linear.scatter [tilespmem:s8], [sflag:$0x2], $0xBB80, $0x38;
	[tilespmem:$0xC350] =	vst v63  }
0x22: {  	_ =	swait.ge [sflag:s7], $0xBB80  }
0x23: {  	s13 =	smov.u32 s15;
	s11 =	sadd.s32 $0x1770, s11;
	[sflag:s7] =	ssyncset.done $0x0  }
0x24: {  	s12 =	sadd.s32 s12, s6;
	[sflag:s7] =	ssyncadd.s32 $0xFFFF4480  }
0x25: {  	[tilespmem:s2], [sflag:$0x2] =	stream.linear.gather [hbm4b:s12+s2], $0x7D0, $0x38;
	[tilespmem:$0xC350] =	vst v63  }
0x26: {  	_ =	swait.ge [sflag:s7], $0x7D0  }
0x27: {  	[sflag:s7] =	ssyncset.done $0x0  }
0x28: {  	[sflag:s7] =	ssyncadd.s32 $0xFFFFF830  }
0x29: {  	[tilespmem:s8], [sflag:$0x1] =	stream.indirect.gather [hbm4b:s3+s8], $0x18, s2, s8, $0xb8;
	[tilespmem:$0xC350] =	vst v63  }
0x2a: {  	s10 =	sadd.s32 $0x1, s10;
	_ =	swait.ge [sflag:s9], $0xBB80  }
0x2b: {  	p0 =	sne.s32 s10, s4;
	[sflag:s9] =	ssyncset.done $0x0  }
.Ltmp1:
0x2c: {  	[sflag:s9] =	ssyncadd.s32 $0xFFFF4480;
	(pc) =	sbr.rel @p0 .LBB2_1-.Ltmp1, $4  }
0x2d: {  	[hbm4b:s11+s2] =	stream.linear.scatter [tilespmem:s8], [sflag:$0x2], $0xBB80, $0x38;
	[tilespmem:$0xC350] =	vst v63  }
0x2e: {  	_ =	swait.ge [sflag:s7], $0xBB80  }
0x2f: {  	[sflag:s7] =	ssyncset.done $0x0  }
0x30: {  	[sflag:s7] =	ssyncadd.s32 $0xFFFF4480  }
0x31: {  	_ =	sfence.sel $0x180000  }
0x32: {  	[bflag:$0x0] =	sbarrier.arrive $0xFFFF  }
0x33: {  	p0 =	sne.s32 s1, $0x0;
	_ =	strace $0x90000047  }
0x34: {  	s0 =	sadd.s32 @!p0 $0x100000, s0;
	[bflag:$0x2] =	sbarrier.arrive $0xFFFF  }
0x35: {  	[sflag:s0] =	ssyncadd.tile.s32 @!p0 $0x1;
	_ =	shalt  }
.Lfunc_end2:
_tile_overlayer_lowered:
.L_overlay_start_2:
0x36: {  	(tag) =	ssettag $0x2  }
0x37: {  	s0 =	rddreg [dreg:$0x0];
	s2 =	stileid.u32  }
0x38: {  	s1 =	rddreg [dreg:$0x1];
	p0 =	sne.s32 s2, $0x0  }
0x39: {  	s3 =	rddreg [dreg:$0x2];
	[bflag:$0x3] =	sbarrier.arrive $0xFFFF;
	s2 =	simm.s32 @!p0 $0x1C02  }
0x3a: {  	[timem:s3], [sflag:s2] =	dma.local @!p0 [hbm:s0], s1  }
0x3b: {  	s0 =	simm.s32 @!p0 $0x2  }
0x3c: {  	_ =	swait.ge @!p0 [sflag:s0], s1  }
0x3d: {  	s1 =	ssub.s32 @!p0 $0x0, s1;
	[sflag:s0] =	ssyncset.done @!p0 $0x0  }
0x3e: {  	[sflag:s0] =	ssyncadd.s32 @!p0 s1  }
0x3f: {  	[bflag:$0x3] =	sbarrier.arrive $0xFFFF  }
0x40: {  	_ =	shalt  }

</sc_bundles>
